<compile_context>
chip_gen: v7x
topology: tpu7x:2x2x1
jax: 0.10.2.dev20260603
libtpu: 0.0.44.dev20260713+nightly
codegen_flags: <defaults>
</compile_context>

<pallas_src>
import functools

import jax
import jax.numpy as jnp
from jax import lax
from jax.experimental import pallas as pl
from jax.experimental.pallas import tpu as pltpu
from jax.experimental.pallas import tpu_sc as plsc

N = 10000
E = 320000
D = 128
H = 4
C = D // H
TW = 144
CHUNK = 80
NTILES = 32
EDGES_PER_TILE = E // NTILES
CHUNKS_PER_TILE = EDGES_PER_TILE // CHUNK
NPAD = 10240
ROWS_PER_TILE = NPAD // 16


def _prep_body(x_ref, wl_ref, bl_ref, wr_ref, br_ref, mj_ref,
               table_ref, r_ref):
    x = x_ref[...]
    dn = (((1,), (1,)), ((), ()))
    l = lax.dot_general(x, wl_ref[...], dn,
                        preferred_element_type=jnp.float32) + bl_ref[...]
    r = lax.dot_general(x, wr_ref[...], dn,
                        preferred_element_type=jnp.float32) + br_ref[...]
    dn2 = (((1,), (0,)), ((), ()))
    aj = lax.dot_general(l, mj_ref[...], dn2,
                         preferred_element_type=jnp.float32)
    w = jnp.exp(jnp.clip(aj, -60.0, 60.0))
    wfull = jnp.concatenate(
        [jnp.broadcast_to(w[:, h:h + 1], (x.shape[0], C)) for h in range(H)],
        axis=1)
    lw = l * wfull
    pad = jnp.zeros((x.shape[0], TW - D - H), dtype=jnp.float32)
    table_ref[...] = jnp.concatenate([lw, w[:, :H], pad], axis=1)
    r_ref[...] = r


def _sc_edge_body(src_hbm, dst_hbm, table_hbm, out_hbm,
                  src_v, dst_v, rows_v, rows2_v, accum_sh, gsem):
    c = lax.axis_index("c")
    s = lax.axis_index("s")
    tile = s * 2 + c

    def zb(i, _):
        for j in range(TW // 16):
            rows_v[i, pl.ds(j * 16, 16)] = jnp.zeros((16,), jnp.float32)
        return 0
    lax.fori_loop(0, CHUNK, zb, 0)
    row0 = s * ROWS_PER_TILE
    def zc(k, _):
        pltpu.sync_copy(rows_v, accum_sh.at[pl.ds(row0 + k * CHUNK, CHUNK)])
        return 0
    lax.fori_loop(0, ROWS_PER_TILE // CHUNK, zc, 0)
    plsc.subcore_barrier()

    rbase = tile * CHUNKS_PER_TILE
    for pbase, psize in ((0, 63), (63, 31), (94, 31)):
        pltpu.sync_copy(src_hbm.at[pl.ds(rbase + pbase, psize)],
                        src_v.at[pl.ds(0, psize)])
        pltpu.sync_copy(dst_hbm.at[pl.ds(rbase + pbase, psize)],
                        dst_v.at[pl.ds(0, psize)])
        pltpu.async_copy(table_hbm.at[src_v.at[0]], rows_v, gsem).wait()

        def body(i, _):
            j = 2 * i
            cp = pltpu.async_copy(table_hbm.at[src_v.at[j + 1]], rows2_v,
                                  gsem)
            pltpu.sync_copy(rows_v, accum_sh.at[dst_v.at[j]], add=True)
            cp.wait()
            cp2 = pltpu.async_copy(table_hbm.at[src_v.at[j + 2]], rows_v,
                                   gsem)
            pltpu.sync_copy(rows2_v, accum_sh.at[dst_v.at[j + 1]], add=True)
            cp2.wait()
            return 0
        lax.fori_loop(0, (psize - 1) // 2, body, 0)
        pltpu.sync_copy(rows_v, accum_sh.at[dst_v.at[psize - 1]], add=True)

    plsc.subcore_barrier()
    pltpu.sync_copy(accum_sh.at[pl.ds(row0, ROWS_PER_TILE)],
                    out_hbm.at[c, pl.ds(row0, ROWS_PER_TILE)])


def _final_body(p_ref, r_ref, cw_ref, cb_ref, out_ref):
    s2 = p_ref[0] + p_ref[1]
    r = r_ref[...]
    nb = r.shape[0]
    denom = s2[:, D:D + H]
    dfull = jnp.concatenate(
        [jnp.broadcast_to(denom[:, h:h + 1], (nb, C)) for h in range(H)],
        axis=1)
    agg = s2[:, :D] / jnp.maximum(dfull, 1e-30)
    dn = (((1,), (1,)), ((), ()))
    logits = lax.dot_general(r, cw_ref[...], dn,
                             preferred_element_type=jnp.float32) + cb_ref[...]
    m = jnp.max(logits, axis=1, keepdims=True)
    e = jnp.exp(logits - m)
    beta = e / jnp.sum(e, axis=1, keepdims=True)
    out = beta[:, 0:1] * agg + beta[:, 1:2] * r
    out_ref[...] = jnp.maximum(out, 0.0)


def kernel(x, edge_index, W_l, b_l, W_r, b_r, conv_w, conv_b, attn, alpha_act):
    s = alpha_act[0]
    attnj = attn[0, :, C:].reshape(-1)
    head_of = jnp.arange(D, dtype=jnp.int32) // C
    mj = (head_of[:, None] == jnp.arange(8, dtype=jnp.int32)[None, :])
    mj = mj.astype(jnp.float32) * (attnj * s)[:, None]

    table, r = pl.pallas_call(
        _prep_body,
        out_shape=(jax.ShapeDtypeStruct((N, TW), jnp.float32),
                   jax.ShapeDtypeStruct((N, D), jnp.float32)),
    )(x, W_l, b_l.reshape(1, D), W_r, b_r.reshape(1, D), mj)

    mesh = plsc.VectorSubcoreMesh(core_axis_name="c", subcore_axis_name="s")
    partials = pl.kernel(
        _sc_edge_body,
        mesh=mesh,
        compiler_params=pltpu.CompilerParams(use_tc_tiling_on_sc=False),
        out_type=jax.ShapeDtypeStruct((2, NPAD, TW), jnp.float32),
        scratch_types=[
            pltpu.VMEM((63, CHUNK), jnp.int32),
            pltpu.VMEM((63, CHUNK), jnp.int32),
            pltpu.VMEM((CHUNK, TW), jnp.float32),
            pltpu.VMEM((CHUNK, TW), jnp.float32),
            pltpu.VMEM_SHARED((NPAD, TW), jnp.float32),
            pltpu.SemaphoreType.DMA,
        ],
    )(edge_index[0].reshape(NTILES * CHUNKS_PER_TILE, CHUNK),
      edge_index[1].reshape(NTILES * CHUNKS_PER_TILE, CHUNK),
      table)

    NB = 2000
    out = pl.pallas_call(
        _final_body,
        grid=(N // NB,),
        in_specs=[
            pl.BlockSpec((2, NB, TW), lambda i: (0, i, 0)),
            pl.BlockSpec((NB, D), lambda i: (i, 0)),
            pl.BlockSpec((2, D), lambda i: (0, 0)),
            pl.BlockSpec((1, 2), lambda i: (0, 0)),
        ],
        out_specs=pl.BlockSpec((NB, D), lambda i: (i, 0)),
        out_shape=jax.ShapeDtypeStruct((N, D), jnp.float32),
    )(partials, r, conv_w, conv_b.reshape(1, 2))
    return out

# --- scband reference (transcript-rebuilt; emitter-appended) ---
"""Pipeline reference for scband-latte-61168924230218 (READ-ONLY COPY).

The authoritative reference and input builder live on the scoring server;
editing this copy changes nothing except your own understanding.
"""

import jax, jax.numpy as jnp
import numpy as np

N = 10000   # nodes (single node type 'A')
E = 320000  # edges for metapath ('A','to','A')
D = 128     # embedding_dim (== input_dim == output_dim)
H = 4       # attn_heads
C = D // H  # out_channels per head
R = 2       # num_head_relations('A') = 1 metapath + 1 self relation


def setup_inputs(seed: int = 0) -> dict:
    key = jax.random.key(seed)
    ks = jax.random.split(key, 10)
    x = jax.random.normal(ks[0], (N, D), dtype=jnp.float32)
    edge_index = jax.random.randint(ks[1], (2, E), 0, N, dtype=jnp.int32)
    # learned parameters (xavier-ish scale)
    W_l = jax.random.normal(ks[2], (D, D), dtype=jnp.float32) * (2.0 / D) ** 0.5
    b_l = jnp.zeros((D,), dtype=jnp.float32)
    W_r = jax.random.normal(ks[3], (D, D), dtype=jnp.float32) * (2.0 / D) ** 0.5
    b_r = jnp.zeros((D,), dtype=jnp.float32)
    # Conv1d(in=D, out=R, kernel=1) -> equivalent dense [R, D]
    conv_w = jax.random.normal(ks[4], (R, D), dtype=jnp.float32) * (1.0 / D) ** 0.5
    conv_b = jnp.zeros((R,), dtype=jnp.float32)
    # attn: [n_metapaths=1, H, 2*C]
    attn = jax.random.normal(ks[5], (1, H, 2 * C), dtype=jnp.float32) * (2.0 / (2 * C)) ** 0.5
    # sharpening scalars, one per metapath, init 1.0
    alpha_act = jnp.ones((1,), dtype=jnp.float32)
    return {"x": x, "edge_index": edge_index, "W_l": W_l, "b_l": b_l,
            "W_r": W_r, "b_r": b_r, "conv_w": conv_w, "conv_b": conv_b,
            "attn": attn, "alpha_act": alpha_act}


def reference(x, edge_index, W_l, b_l, W_r, b_r, conv_w, conv_b, attn, alpha_act):
    src = edge_index[0]
    dst = edge_index[1]
    # linear_l / linear_r projections (get_h_dict)
    l = x @ W_l.T + b_l            # [N, D]
    r = x @ W_r.T + b_r            # [N, D] (x_r == x since size[tail][1] == N)
    # get_beta_weights: Conv1d(k=1) over r, softmax over relation axis
    logits = r @ conv_w.T + conv_b          # [N, R]
    beta = jax.nn.softmax(logits, axis=1)   # [N, R]
    # multi-head edge attention for the order-1 metapath
    lh = l.reshape(N, H, C)
    rh = r.reshape(N, H, C)
    x_j = jnp.take(lh, src, axis=0)  # source messages [E, H, C]
    x_i = jnp.take(rh, dst, axis=0)  # target queries  [E, H, C]
    cat = jnp.concatenate([x_i, x_j], axis=2)          # [E, H, 2C]
    alpha = jnp.sum(cat * attn[0][None, :, :], axis=-1)  # [E, H]
    alpha = alpha * alpha_act[0]                         # 'sharpening'
    # segment softmax over incoming edges of each dst node
    amax = jax.ops.segment_max(alpha, dst, num_segments=N)   # [N, H]
    amax = jnp.where(jnp.isfinite(amax), amax, 0.0)
    ex = jnp.exp(alpha - jnp.take(amax, dst, axis=0))
    denom = jax.ops.segment_sum(ex, dst, num_segments=N)     # [N, H]
    a = ex / (jnp.take(denom, dst, axis=0) + 1e-16)          # [E, H]
    # message = alpha * x_j ; aggr = scatter-add to dst
    msg = x_j * a[:, :, None]                                # [E, H, C]
    agg = jax.ops.segment_sum(msg, dst, num_segments=N).reshape(N, D)
    # emb_relations: slot 0 = metapath aggregation, last slot = r (self)
    emb = jnp.stack([agg, r], axis=1)                        # [N, R, D]
    # out = bmm(emb^T, beta).squeeze(-1)
    out = jnp.einsum('nrd,nr->nd', emb, beta)                # [N, D]
    out = jax.nn.relu(out)                                   # activation
    return out

if __name__ == "__main__":
    import jax
    _d = setup_inputs()
    print(jax.jit(kernel)(*tuple(_d.values())))

</pallas_src>

<mosaic_0001>
#map = affine_map<(d0, d1) -> (0, 0)>
#map1 = affine_map<(d0, d1) -> (0, 0, 0)>
module attributes {stable_mosaic.version = 14 : i64} {
  func.func @_sc_edge_body(%arg0: i32, %arg1: i32, %arg2: memref<4000x80xi32, #tpu.memory_space<hbm>>, %arg3: memref<4000x80xi32, #tpu.memory_space<hbm>>, %arg4: memref<10000x144xf32, #tpu.memory_space<hbm>>, %arg5: memref<2x10240x144xf32, #tpu.memory_space<hbm>>, %arg6: memref<63x80xi32, #tpu.memory_space<vmem>>, %arg7: memref<63x80xi32, #tpu.memory_space<vmem>>, %arg8: memref<80x144xf32, #tpu.memory_space<vmem>>, %arg9: memref<80x144xf32, #tpu.memory_space<vmem>>, %arg10: memref<10240x144xf32, #tpu.memory_space<vmem_shared>>, %arg11: memref<!tpu.dma_semaphore, #tpu.memory_space<semaphore_mem>>) attributes {dimension_semantics = [#tpu.dimension_semantics<core_parallel>, #tpu.dimension_semantics<subcore_parallel>], iteration_bounds = array<i64: 2, 16>, scalar_prefetch = 0 : i64, scratch_operands = 6 : i64, tpu.core_type = #tpu.core_type<sc_vector_subcore>, window_params = [{transform_indices = #map}, {transform_indices = #map}, {transform_indices = #map}, {transform_indices = #map1}]} {
    %mul3A = arith.constant 2 : i32
    %mul3A_0 = arith.muli %arg1, %mul3A : i32
    %add3A = arith.addi %mul3A_0, %arg0 : i32
    %scan3A = arith.constant 0 : i32
    %scan3A_1 = arith.constant 0 : i32
    %scan3A_2 = arith.constant 80 : i32
    %scan3A_3 = arith.addi %scan3A_1, %scan3A_2 : i32
    %scan3A_4 = arith.constant 1 : i32
    %scan3A_5 = scf.for %scan3A_94 = %scan3A_1 to %scan3A_3 step %scan3A_4 iter_args(%scan3A_95 = %scan3A) -> (i32)  : i32 {
      %broadcast_in_dim3A = arith.constant 0.000000e+00 : f32
      %broadcast_in_dim3A_96 = vector.broadcast %broadcast_in_dim3A : f32 to vector<16xf32>
      %swap3A = arith.index_cast %scan3A_94 : i32 to index
      %swap3A_97 = arith.constant 0 : index
      %swap3A_98 = tpu.vector_load %arg8[%swap3A, %swap3A_97] {strides = array<i32>} : memref<80x144xf32, #tpu.memory_space<vmem>>, vector<1x16xf32>,
      %swap3A_99 = vector.shape_cast %swap3A_98 : vector<1x16xf32> to vector<16xf32>
      %swap3A_100 = vector.shape_cast %broadcast_in_dim3A_96 : vector<16xf32> to vector<1x16xf32>
      tpu.vector_store %arg8[%swap3A, %swap3A_97], %swap3A_100 {strides = array<i32>} : memref<80x144xf32, #tpu.memory_space<vmem>>, vector<1x16xf32>,
      %broadcast_in_dim3A_101 = arith.constant 0.000000e+00 : f32
      %broadcast_in_dim3A_102 = vector.broadcast %broadcast_in_dim3A_101 : f32 to vector<16xf32>
      %swap3A_103 = arith.index_cast %scan3A_94 : i32 to index
      %swap3A_104 = arith.constant 16 : index
      %swap3A_105 = tpu.vector_load %arg8[%swap3A_103, %swap3A_104] {strides = array<i32>} : memref<80x144xf32, #tpu.memory_space<vmem>>, vector<1x16xf32>,
      %swap3A_106 = vector.shape_cast %swap3A_105 : vector<1x16xf32> to vector<16xf32>
      %swap3A_107 = vector.shape_cast %broadcast_in_dim3A_102 : vector<16xf32> to vector<1x16xf32>
      tpu.vector_store %arg8[%swap3A_103, %swap3A_104], %swap3A_107 {strides = array<i32>} : memref<80x144xf32, #tpu.memory_space<vmem>>, vector<1x16xf32>,
      %broadcast_in_dim3A_108 = arith.constant 0.000000e+00 : f32
      %broadcast_in_dim3A_109 = vector.broadcast %broadcast_in_dim3A_108 : f32 to vector<16xf32>
      %swap3A_110 = arith.index_cast %scan3A_94 : i32 to index
      %swap3A_111 = arith.constant 32 : index
      %swap3A_112 = tpu.vector_load %arg8[%swap3A_110, %swap3A_111] {strides = array<i32>} : memref<80x144xf32, #tpu.memory_space<vmem>>, vector<1x16xf32>,
      %swap3A_113 = vector.shape_cast %swap3A_112 : vector<1x16xf32> to vector<16xf32>
      %swap3A_114 = vector.shape_cast %broadcast_in_dim3A_109 : vector<16xf32> to vector<1x16xf32>
      tpu.vector_store %arg8[%swap3A_110, %swap3A_111], %swap3A_114 {strides = array<i32>} : memref<80x144xf32, #tpu.memory_space<vmem>>, vector<1x16xf32>,
      %broadcast_in_dim3A_115 = arith.constant 0.000000e+00 : f32
      %broadcast_in_dim3A_116 = vector.broadcast %broadcast_in_dim3A_115 : f32 to vector<16xf32>
      %swap3A_117 = arith.index_cast %scan3A_94 : i32 to index
      %swap3A_118 = arith.constant 48 : index
      %swap3A_119 = tpu.vector_load %arg8[%swap3A_117, %swap3A_118] {strides = array<i32>} : memref<80x144xf32, #tpu.memory_space<vmem>>, vector<1x16xf32>,
      %swap3A_120 = vector.shape_cast %swap3A_119 : vector<1x16xf32> to vector<16xf32>
      %swap3A_121 = vector.shape_cast %broadcast_in_dim3A_116 : vector<16xf32> to vector<1x16xf32>
      tpu.vector_store %arg8[%swap3A_117, %swap3A_118], %swap3A_121 {strides = array<i32>} : memref<80x144xf32, #tpu.memory_space<vmem>>, vector<1x16xf32>,
      %broadcast_in_dim3A_122 = arith.constant 0.000000e+00 : f32
      %broadcast_in_dim3A_123 = vector.broadcast %broadcast_in_dim3A_122 : f32 to vector<16xf32>
      %swap3A_124 = arith.index_cast %scan3A_94 : i32 to index
      %swap3A_125 = arith.constant 64 : index
      %swap3A_126 = tpu.vector_load %arg8[%swap3A_124, %swap3A_125] {strides = array<i32>} : memref<80x144xf32, #tpu.memory_space<vmem>>, vector<1x16xf32>,
      %swap3A_127 = vector.shape_cast %swap3A_126 : vector<1x16xf32> to vector<16xf32>
      %swap3A_128 = vector.shape_cast %broadcast_in_dim3A_123 : vector<16xf32> to vector<1x16xf32>
      tpu.vector_store %arg8[%swap3A_124, %swap3A_125], %swap3A_128 {strides = array<i32>} : memref<80x144xf32, #tpu.memory_space<vmem>>, vector<1x16xf32>,
      %broadcast_in_dim3A_129 = arith.constant 0.000000e+00 : f32
      %broadcast_in_dim3A_130 = vector.broadcast %broadcast_in_dim3A_129 : f32 to vector<16xf32>
      %swap3A_131 = arith.index_cast %scan3A_94 : i32 to index
      %swap3A_132 = arith.constant 80 : index
      %swap3A_133 = tpu.vector_load %arg8[%swap3A_131, %swap3A_132] {strides = array<i32>} : memref<80x144xf32, #tpu.memory_space<vmem>>, vector<1x16xf32>,
      %swap3A_134 = vector.shape_cast %swap3A_133 : vector<1x16xf32> to vector<16xf32>
      %swap3A_135 = vector.shape_cast %broadcast_in_dim3A_130 : vector<16xf32> to vector<1x16xf32>
      tpu.vector_store %arg8[%swap3A_131, %swap3A_132], %swap3A_135 {strides = array<i32>} : memref<80x144xf32, #tpu.memory_space<vmem>>, vector<1x16xf32>,
      %broadcast_in_dim3A_136 = arith.constant 0.000000e+00 : f32
      %broadcast_in_dim3A_137 = vector.broadcast %broadcast_in_dim3A_136 : f32 to vector<16xf32>
      %swap3A_138 = arith.index_cast %scan3A_94 : i32 to index
      %swap3A_139 = arith.constant 96 : index
      %swap3A_140 = tpu.vector_load %arg8[%swap3A_138, %swap3A_139] {strides = array<i32>} : memref<80x144xf32, #tpu.memory_space<vmem>>, vector<1x16xf32>,
      %swap3A_141 = vector.shape_cast %swap3A_140 : vector<1x16xf32> to vector<16xf32>
      %swap3A_142 = vector.shape_cast %broadcast_in_dim3A_137 : vector<16xf32> to vector<1x16xf32>
      tpu.vector_store %arg8[%swap3A_138, %swap3A_139], %swap3A_142 {strides = array<i32>} : memref<80x144xf32, #tpu.memory_space<vmem>>, vector<1x16xf32>,
      %broadcast_in_dim3A_143 = arith.constant 0.000000e+00 : f32
      %broadcast_in_dim3A_144 = vector.broadcast %broadcast_in_dim3A_143 : f32 to vector<16xf32>
      %swap3A_145 = arith.index_cast %scan3A_94 : i32 to index
      %swap3A_146 = arith.constant 112 : index
      %swap3A_147 = tpu.vector_load %arg8[%swap3A_145, %swap3A_146] {strides = array<i32>} : memref<80x144xf32, #tpu.memory_space<vmem>>, vector<1x16xf32>,
      %swap3A_148 = vector.shape_cast %swap3A_147 : vector<1x16xf32> to vector<16xf32>
      %swap3A_149 = vector.shape_cast %broadcast_in_dim3A_144 : vector<16xf32> to vector<1x16xf32>
      tpu.vector_store %arg8[%swap3A_145, %swap3A_146], %swap3A_149 {strides = array<i32>} : memref<80x144xf32, #tpu.memory_space<vmem>>, vector<1x16xf32>,
      %broadcast_in_dim3A_150 = arith.constant 0.000000e+00 : f32
      %broadcast_in_dim3A_151 = vector.broadcast %broadcast_in_dim3A_150 : f32 to vector<16xf32>
      %swap3A_152 = arith.index_cast %scan3A_94 : i32 to index
      %swap3A_153 = arith.constant 128 : index
      %swap3A_154 = tpu.vector_load %arg8[%swap3A_152, %swap3A_153] {strides = array<i32>} : memref<80x144xf32, #tpu.memory_space<vmem>>, vector<1x16xf32>,
      %swap3A_155 = vector.shape_cast %swap3A_154 : vector<1x16xf32> to vector<16xf32>
      %swap3A_156 = vector.shape_cast %broadcast_in_dim3A_151 : vector<16xf32> to vector<1x16xf32>
      tpu.vector_store %arg8[%swap3A_152, %swap3A_153], %swap3A_156 {strides = array<i32>} : memref<80x144xf32, #tpu.memory_space<vmem>>, vector<1x16xf32>,
      %scan3A_157 = arith.constant 0 : i32
      scf.yield %scan3A_157 : i32
    }
    %scan3A_6 = arith.constant 80 : i32
    %mul3A_7 = arith.constant 640 : i32
    %mul3A_8 = arith.muli %arg1, %mul3A_7 : i32
    %scan3A_9 = arith.constant 0 : i32
    %scan3A_10 = arith.constant 0 : i32
    %scan3A_11 = arith.constant 8 : i32
    %scan3A_12 = arith.addi %scan3A_10, %scan3A_11 : i32
    %scan3A_13 = arith.constant 1 : i32
    %scan3A_14 = scf.for %scan3A_94 = %scan3A_10 to %scan3A_12 step %scan3A_13 iter_args(%scan3A_95 = %scan3A_9) -> (i32)  : i32 {
      %mul3A_96 = arith.constant 80 : i32
      %mul3A_97 = arith.muli %scan3A_94, %mul3A_96 : i32
      %add3A_98 = arith.addi %mul3A_8, %mul3A_97 : i32
      "tpu.region"() ({
        %run_scoped3A_100 = tpu.sem_alloc : memref<!tpu.dma_semaphore, #tpu.memory_space<semaphore_mem>>
        %dma_start3A_101 = arith.constant 0 : i32
        %dma_start3A_102 = tpu.memref_slice %arg10[%add3A_98, %dma_start3A_101] : memref<10240x144xf32, #tpu.memory_space<vmem_shared>> -> memref<80x144xf32, #tpu.memory_space<vmem_shared>>
        %dma_start3A_103 = arith.constant 0 : i32
        %dma_start3A_104 = tpu.memref_slice %arg10[%add3A_98, %dma_start3A_103] : memref<10240x144xf32, #tpu.memory_space<vmem_shared>> -> memref<80x144xf32, #tpu.memory_space<vmem_shared>>
        tpu.enqueue_dma source(%arg8 : memref<80x144xf32, #tpu.memory_space<vmem>>) target(%dma_start3A_104 : memref<80x144xf32, #tpu.memory_space<vmem_shared>>) target_semaphore(%run_scoped3A_100 : memref<!tpu.dma_semaphore, #tpu.memory_space<semaphore_mem>>)
        %dma_wait3A_105 = arith.constant 0 : i32
        %dma_wait3A_106 = tpu.memref_slice %arg10[%add3A_98, %dma_wait3A_105] : memref<10240x144xf32, #tpu.memory_space<vmem_shared>> -> memref<80x144xf32, #tpu.memory_space<vmem_shared>>
        %dma_wait3A_107 = arith.constant 0 : i32
        %dma_wait3A_108 = tpu.memref_slice %arg10[%add3A_98, %dma_wait3A_107] : memref<10240x144xf32, #tpu.memory_space<vmem_shared>> -> memref<80x144xf32, #tpu.memory_space<vmem_shared>>
        tpu.wait_dma2 semaphore(%run_scoped3A_100 : memref<!tpu.dma_semaphore, #tpu.memory_space<semaphore_mem>>) src(%arg8 : memref<80x144xf32, #tpu.memory_space<vmem>>) dst(%dma_wait3A_108 : memref<80x144xf32, #tpu.memory_space<vmem_shared>>)
        tpu.yield
      }) : () -> ()
      %scan3A_99 = arith.constant 0 : i32
      scf.yield %scan3A_99 : i32
    }
    %scan3A_15 = arith.constant 8 : i32
    %barrier3A = arith.constant 0 : index
    tpu.barrier barrier_id(%barrier3A)
    %mul3A_16 = arith.constant 125 : i32
    %mul3A_17 = arith.muli %add3A, %mul3A_16 : i32
    %add3A_18 = arith.constant 0 : i32
    %add3A_19 = arith.addi %mul3A_17, %add3A_18 : i32
    "tpu.region"() ({
      %run_scoped3A_94 = tpu.sem_alloc : memref<!tpu.dma_semaphore, #tpu.memory_space<semaphore_mem>>
      %dma_start3A_95 = arith.constant 0 : i32
      %dma_start3A_96 = arith.constant 0 : i32
      %dma_start3A_97 = tpu.memref_slice %arg6[%dma_start3A_95, %dma_start3A_96] : memref<63x80xi32, #tpu.memory_space<vmem>> -> memref<63x80xi32, #tpu.memory_space<vmem>>
      %dma_start3A_98 = arith.constant 0 : i32
      %dma_start3A_99 = tpu.memref_slice %arg2[%add3A_19, %dma_start3A_98] : memref<4000x80xi32, #tpu.memory_space<hbm>> -> memref<63x80xi32, #tpu.memory_space<hbm>>
      %dma_start3A_100 = arith.constant 0 : i32
      %dma_start3A_101 = arith.constant 0 : i32
      %dma_start3A_102 = tpu.memref_slice %arg6[%dma_start3A_100, %dma_start3A_101] : memref<63x80xi32, #tpu.memory_space<vmem>> -> memref<63x80xi32, #tpu.memory_space<vmem>>
      %dma_start3A_103 = arith.constant 0 : i32
      %dma_start3A_104 = tpu.memref_slice %arg2[%add3A_19, %dma_start3A_103] : memref<4000x80xi32, #tpu.memory_space<hbm>> -> memref<63x80xi32, #tpu.memory_space<hbm>>
      tpu.enqueue_dma source(%dma_start3A_104 : memref<63x80xi32, #tpu.memory_space<hbm>>) target(%dma_start3A_102 : memref<63x80xi32, #tpu.memory_space<vmem>>) target_semaphore(%run_scoped3A_94 : memref<!tpu.dma_semaphore, #tpu.memory_space<semaphore_mem>>)
      %dma_wait3A_105 = arith.constant 0 : i32
      %dma_wait3A_106 = arith.constant 0 : i32
      %dma_wait3A_107 = tpu.memref_slice %arg6[%dma_wait3A_105, %dma_wait3A_106] : memref<63x80xi32, #tpu.memory_space<vmem>> -> memref<63x80xi32, #tpu.memory_space<vmem>>
      %dma_wait3A_108 = arith.constant 0 : i32
      %dma_wait3A_109 = tpu.memref_slice %arg2[%add3A_19, %dma_wait3A_108] : memref<4000x80xi32, #tpu.memory_space<hbm>> -> memref<63x80xi32, #tpu.memory_space<hbm>>
      %dma_wait3A_110 = arith.constant 0 : i32
      %dma_wait3A_111 = arith.constant 0 : i32
      %dma_wait3A_112 = tpu.memref_slice %arg6[%dma_wait3A_110, %dma_wait3A_111] : memref<63x80xi32, #tpu.memory_space<vmem>> -> memref<63x80xi32, #tpu.memory_space<vmem>>
      %dma_wait3A_113 = arith.constant 0 : i32
      %dma_wait3A_114 = tpu.memref_slice %arg2[%add3A_19, %dma_wait3A_113] : memref<4000x80xi32, #tpu.memory_space<hbm>> -> memref<63x80xi32, #tpu.memory_space<hbm>>
      tpu.wait_dma2 semaphore(%run_scoped3A_94 : memref<!tpu.dma_semaphore, #tpu.memory_space<semaphore_mem>>) src(%dma_wait3A_114 : memref<63x80xi32, #tpu.memory_space<hbm>>) dst(%dma_wait3A_112 : memref<63x80xi32, #tpu.memory_space<vmem>>)
      tpu.yield
    }) : () -> ()
    %add3A_20 = arith.constant 0 : i32
    %add3A_21 = arith.addi %mul3A_17, %add3A_20 : i32
    "tpu.region"() ({
      %run_scoped3A_94 = tpu.sem_alloc : memref<!tpu.dma_semaphore, #tpu.memory_space<semaphore_mem>>
      %dma_start3A_95 = arith.constant 0 : i32
      %dma_start3A_96 = arith.constant 0 : i32
      %dma_start3A_97 = tpu.memref_slice %arg7[%dma_start3A_95, %dma_start3A_96] : memref<63x80xi32, #tpu.memory_space<vmem>> -> memref<63x80xi32, #tpu.memory_space<vmem>>
      %dma_start3A_98 = arith.constant 0 : i32
      %dma_start3A_99 = tpu.memref_slice %arg3[%add3A_21, %dma_start3A_98] : memref<4000x80xi32, #tpu.memory_space<hbm>> -> memref<63x80xi32, #tpu.memory_space<hbm>>
      %dma_start3A_100 = arith.constant 0 : i32
      %dma_start3A_101 = arith.constant 0 : i32
      %dma_start3A_102 = tpu.memref_slice %arg7[%dma_start3A_100, %dma_start3A_101] : memref<63x80xi32, #tpu.memory_space<vmem>> -> memref<63x80xi32, #tpu.memory_space<vmem>>
      %dma_start3A_103 = arith.constant 0 : i32
      %dma_start3A_104 = tpu.memref_slice %arg3[%add3A_21, %dma_start3A_103] : memref<4000x80xi32, #tpu.memory_space<hbm>> -> memref<63x80xi32, #tpu.memory_space<hbm>>
      tpu.enqueue_dma source(%dma_start3A_104 : memref<63x80xi32, #tpu.memory_space<hbm>>) target(%dma_start3A_102 : memref<63x80xi32, #tpu.memory_space<vmem>>) target_semaphore(%run_scoped3A_94 : memref<!tpu.dma_semaphore, #tpu.memory_space<semaphore_mem>>)
      %dma_wait3A_105 = arith.constant 0 : i32
      %dma_wait3A_106 = arith.constant 0 : i32
      %dma_wait3A_107 = tpu.memref_slice %arg7[%dma_wait3A_105, %dma_wait3A_106] : memref<63x80xi32, #tpu.memory_space<vmem>> -> memref<63x80xi32, #tpu.memory_space<vmem>>
      %dma_wait3A_108 = arith.constant 0 : i32
      %dma_wait3A_109 = tpu.memref_slice %arg3[%add3A_21, %dma_wait3A_108] : memref<4000x80xi32, #tpu.memory_space<hbm>> -> memref<63x80xi32, #tpu.memory_space<hbm>>
      %dma_wait3A_110 = arith.constant 0 : i32
      %dma_wait3A_111 = arith.constant 0 : i32
      %dma_wait3A_112 = tpu.memref_slice %arg7[%dma_wait3A_110, %dma_wait3A_111] : memref<63x80xi32, #tpu.memory_space<vmem>> -> memref<63x80xi32, #tpu.memory_space<vmem>>
      %dma_wait3A_113 = arith.constant 0 : i32
      %dma_wait3A_114 = tpu.memref_slice %arg3[%add3A_21, %dma_wait3A_113] : memref<4000x80xi32, #tpu.memory_space<hbm>> -> memref<63x80xi32, #tpu.memory_space<hbm>>
      tpu.wait_dma2 semaphore(%run_scoped3A_94 : memref<!tpu.dma_semaphore, #tpu.memory_space<semaphore_mem>>) src(%dma_wait3A_114 : memref<63x80xi32, #tpu.memory_space<hbm>>) dst(%dma_wait3A_112 : memref<63x80xi32, #tpu.memory_space<vmem>>)
      tpu.yield
    }) : () -> ()
    %dma_start3A = arith.constant 0 : i32
    %dma_start3A_22 = arith.constant 0 : i32
    %dma_start3A_23 = tpu.memref_slice %arg6[%dma_start3A, %dma_start3A_22] : memref<63x80xi32, #tpu.memory_space<vmem>> -> memref<1x80xi32, #tpu.memory_space<vmem>>
    %dma_start3A_24 = tpu.memref_squeeze %dma_start3A_23 : memref<1x80xi32, #tpu.memory_space<vmem>> -> memref<80xi32, #tpu.memory_space<vmem>>
    %dma_start3A_25 = arith.constant 0 : i32
    %dma_start3A_26 = arith.constant 0 : i32
    %dma_start3A_27 = tpu.memref_slice %arg4[%dma_start3A_25, %dma_start3A_26] : memref<10000x144xf32, #tpu.memory_space<hbm>> -> memref<10000x144xf32, #tpu.memory_space<hbm>>
    tpu.enqueue_indirect_dma source(%dma_start3A_27 : memref<10000x144xf32, #tpu.memory_space<hbm>>) target(%arg8 : memref<80x144xf32, #tpu.memory_space<vmem>>) offsets(%dma_start3A_24 : memref<80xi32, #tpu.memory_space<vmem>>) semaphore(%arg11 : memref<!tpu.dma_semaphore, #tpu.memory_space<semaphore_mem>>)
    %dma_wait3A = arith.constant 0 : i32
    %dma_wait3A_28 = arith.constant 0 : i32
    %dma_wait3A_29 = tpu.memref_slice %arg6[%dma_wait3A, %dma_wait3A_28] : memref<63x80xi32, #tpu.memory_space<vmem>> -> memref<1x80xi32, #tpu.memory_space<vmem>>
    %dma_wait3A_30 = tpu.memref_squeeze %dma_wait3A_29 : memref<1x80xi32, #tpu.memory_space<vmem>> -> memref<80xi32, #tpu.memory_space<vmem>>
    %dma_wait3A_31 = arith.constant 0 : i32
    %dma_wait3A_32 = arith.constant 0 : i32
    %dma_wait3A_33 = tpu.memref_slice %arg4[%dma_wait3A_31, %dma_wait3A_32] : memref<10000x144xf32, #tpu.memory_space<hbm>> -> memref<10000x144xf32, #tpu.memory_space<hbm>>
    tpu.wait_indirect_dma semaphore(%arg11 : memref<!tpu.dma_semaphore, #tpu.memory_space<semaphore_mem>>) src(%dma_wait3A_33 : memref<10000x144xf32, #tpu.memory_space<hbm>>) dst(%arg8 : memref<80x144xf32, #tpu.memory_space<vmem>>)
    %scan3A_34 = arith.constant 0 : i32
    %scan3A_35 = arith.constant 0 : i32
    %scan3A_36 = arith.constant 31 : i32
    %scan3A_37 = arith.addi %scan3A_35, %scan3A_36 : i32
    %scan3A_38 = arith.constant 1 : i32
    %scan3A_39 = scf.for %scan3A_94 = %scan3A_35 to %scan3A_37 step %scan3A_38 iter_args(%scan3A_95 = %scan3A_34) -> (i32)  : i32 {
      %mul3A_96 = arith.constant 2 : i32
      %mul3A_97 = arith.muli %mul3A_96, %scan3A_94 : i32
      %add3A_98 = arith.constant 1 : i32
      %add3A_99 = arith.addi %mul3A_97, %add3A_98 : i32
      %dma_start3A_100 = arith.constant 0 : i32
      %dma_start3A_101 = tpu.memref_slice %arg6[%add3A_99, %dma_start3A_100] : memref<63x80xi32, #tpu.memory_space<vmem>> -> memref<1x80xi32, #tpu.memory_space<vmem>>
      %dma_start3A_102 = tpu.memref_squeeze %dma_start3A_101 : memref<1x80xi32, #tpu.memory_space<vmem>> -> memref<80xi32, #tpu.memory_space<vmem>>
      %dma_start3A_103 = arith.constant 0 : i32
      %dma_start3A_104 = arith.constant 0 : i32
      %dma_start3A_105 = tpu.memref_slice %arg4[%dma_start3A_103, %dma_start3A_104] : memref<10000x144xf32, #tpu.memory_space<hbm>> -> memref<10000x144xf32, #tpu.memory_space<hbm>>
      tpu.enqueue_indirect_dma source(%dma_start3A_105 : memref<10000x144xf32, #tpu.memory_space<hbm>>) target(%arg9 : memref<80x144xf32, #tpu.memory_space<vmem>>) offsets(%dma_start3A_102 : memref<80xi32, #tpu.memory_space<vmem>>) semaphore(%arg11 : memref<!tpu.dma_semaphore, #tpu.memory_space<semaphore_mem>>)
      "tpu.region"() ({
        %run_scoped3A_129 = tpu.sem_alloc : memref<!tpu.dma_semaphore, #tpu.memory_space<semaphore_mem>>
        %dma_start3A_130 = arith.constant 0 : i32
        %dma_start3A_131 = tpu.memref_slice %arg7[%mul3A_97, %dma_start3A_130] : memref<63x80xi32, #tpu.memory_space<vmem>> -> memref<1x80xi32, #tpu.memory_space<vmem>>
        %dma_start3A_132 = tpu.memref_squeeze %dma_start3A_131 : memref<1x80xi32, #tpu.memory_space<vmem>> -> memref<80xi32, #tpu.memory_space<vmem>>
        %dma_start3A_133 = arith.constant 0 : i32
        %dma_start3A_134 = arith.constant 0 : i32
        %dma_start3A_135 = tpu.memref_slice %arg10[%dma_start3A_133, %dma_start3A_134] : memref<10240x144xf32, #tpu.memory_space<vmem_shared>> -> memref<10240x144xf32, #tpu.memory_space<vmem_shared>>
        tpu.enqueue_indirect_dma source(%arg8 : memref<80x144xf32, #tpu.memory_space<vmem>>) target(%dma_start3A_135 : memref<10240x144xf32, #tpu.memory_space<vmem_shared>>) offsets(%dma_start3A_132 : memref<80xi32, #tpu.memory_space<vmem>>) semaphore(%run_scoped3A_129 : memref<!tpu.dma_semaphore, #tpu.memory_space<semaphore_mem>>) {add = true}
        %dma_wait3A_136 = arith.constant 0 : i32
        %dma_wait3A_137 = tpu.memref_slice %arg7[%mul3A_97, %dma_wait3A_136] : memref<63x80xi32, #tpu.memory_space<vmem>> -> memref<1x80xi32, #tpu.memory_space<vmem>>
        %dma_wait3A_138 = tpu.memref_squeeze %dma_wait3A_137 : memref<1x80xi32, #tpu.memory_space<vmem>> -> memref<80xi32, #tpu.memory_space<vmem>>
        %dma_wait3A_139 = arith.constant 0 : i32
        %dma_wait3A_140 = arith.constant 0 : i32
        %dma_wait3A_141 = tpu.memref_slice %arg10[%dma_wait3A_139, %dma_wait3A_140] : memref<10240x144xf32, #tpu.memory_space<vmem_shared>> -> memref<10240x144xf32, #tpu.memory_space<vmem_shared>>
        tpu.wait_indirect_dma semaphore(%run_scoped3A_129 : memref<!tpu.dma_semaphore, #tpu.memory_space<semaphore_mem>>) src(%arg8 : memref<80x144xf32, #tpu.memory_space<vmem>>) dst(%dma_wait3A_141 : memref<10240x144xf32, #tpu.memory_space<vmem_shared>>)
        tpu.yield
      }) : () -> ()
      %dma_wait3A_106 = arith.constant 0 : i32
      %dma_wait3A_107 = tpu.memref_slice %arg6[%add3A_99, %dma_wait3A_106] : memref<63x80xi32, #tpu.memory_space<vmem>> -> memref<1x80xi32, #tpu.memory_space<vmem>>
      %dma_wait3A_108 = tpu.memref_squeeze %dma_wait3A_107 : memref<1x80xi32, #tpu.memory_space<vmem>> -> memref<80xi32, #tpu.memory_space<vmem>>
      %dma_wait3A_109 = arith.constant 0 : i32
      %dma_wait3A_110 = arith.constant 0 : i32
      %dma_wait3A_111 = tpu.memref_slice %arg4[%dma_wait3A_109, %dma_wait3A_110] : memref<10000x144xf32, #tpu.memory_space<hbm>> -> memref<10000x144xf32, #tpu.memory_space<hbm>>
      tpu.wait_indirect_dma semaphore(%arg11 : memref<!tpu.dma_semaphore, #tpu.memory_space<semaphore_mem>>) src(%dma_wait3A_111 : memref<10000x144xf32, #tpu.memory_space<hbm>>) dst(%arg9 : memref<80x144xf32, #tpu.memory_space<vmem>>)
      %add3A_112 = arith.constant 2 : i32
      %add3A_113 = arith.addi %mul3A_97, %add3A_112 : i32
      %dma_start3A_114 = arith.constant 0 : i32
      %dma_start3A_115 = tpu.memref_slice %arg6[%add3A_113, %dma_start3A_114] : memref<63x80xi32, #tpu.memory_space<vmem>> -> memref<1x80xi32, #tpu.memory_space<vmem>>
      %dma_start3A_116 = tpu.memref_squeeze %dma_start3A_115 : memref<1x80xi32, #tpu.memory_space<vmem>> -> memref<80xi32, #tpu.memory_space<vmem>>
      %dma_start3A_117 = arith.constant 0 : i32
      %dma_start3A_118 = arith.constant 0 : i32
      %dma_start3A_119 = tpu.memref_slice %arg4[%dma_start3A_117, %dma_start3A_118] : memref<10000x144xf32, #tpu.memory_space<hbm>> -> memref<10000x144xf32, #tpu.memory_space<hbm>>
      tpu.enqueue_indirect_dma source(%dma_start3A_119 : memref<10000x144xf32, #tpu.memory_space<hbm>>) target(%arg8 : memref<80x144xf32, #tpu.memory_space<vmem>>) offsets(%dma_start3A_116 : memref<80xi32, #tpu.memory_space<vmem>>) semaphore(%arg11 : memref<!tpu.dma_semaphore, #tpu.memory_space<semaphore_mem>>)
      %add3A_120 = arith.constant 1 : i32
      %add3A_121 = arith.addi %mul3A_97, %add3A_120 : i32
      "tpu.region"() ({
        %run_scoped3A_129 = tpu.sem_alloc : memref<!tpu.dma_semaphore, #tpu.memory_space<semaphore_mem>>
        %dma_start3A_130 = arith.constant 0 : i32
        %dma_start3A_131 = tpu.memref_slice %arg7[%add3A_121, %dma_start3A_130] : memref<63x80xi32, #tpu.memory_space<vmem>> -> memref<1x80xi32, #tpu.memory_space<vmem>>
        %dma_start3A_132 = tpu.memref_squeeze %dma_start3A_131 : memref<1x80xi32, #tpu.memory_space<vmem>> -> memref<80xi32, #tpu.memory_space<vmem>>
        %dma_start3A_133 = arith.constant 0 : i32
        %dma_start3A_134 = arith.constant 0 : i32
        %dma_start3A_135 = tpu.memref_slice %arg10[%dma_start3A_133, %dma_start3A_134] : memref<10240x144xf32, #tpu.memory_space<vmem_shared>> -> memref<10240x144xf32, #tpu.memory_space<vmem_shared>>
        tpu.enqueue_indirect_dma source(%arg9 : memref<80x144xf32, #tpu.memory_space<vmem>>) target(%dma_start3A_135 : memref<10240x144xf32, #tpu.memory_space<vmem_shared>>) offsets(%dma_start3A_132 : memref<80xi32, #tpu.memory_space<vmem>>) semaphore(%run_scoped3A_129 : memref<!tpu.dma_semaphore, #tpu.memory_space<semaphore_mem>>) {add = true}
        %dma_wait3A_136 = arith.constant 0 : i32
        %dma_wait3A_137 = tpu.memref_slice %arg7[%add3A_121, %dma_wait3A_136] : memref<63x80xi32, #tpu.memory_space<vmem>> -> memref<1x80xi32, #tpu.memory_space<vmem>>
        %dma_wait3A_138 = tpu.memref_squeeze %dma_wait3A_137 : memref<1x80xi32, #tpu.memory_space<vmem>> -> memref<80xi32, #tpu.memory_space<vmem>>
        %dma_wait3A_139 = arith.constant 0 : i32
        %dma_wait3A_140 = arith.constant 0 : i32
        %dma_wait3A_141 = tpu.memref_slice %arg10[%dma_wait3A_139, %dma_wait3A_140] : memref<10240x144xf32, #tpu.memory_space<vmem_shared>> -> memref<10240x144xf32, #tpu.memory_space<vmem_shared>>
        tpu.wait_indirect_dma semaphore(%run_scoped3A_129 : memref<!tpu.dma_semaphore, #tpu.memory_space<semaphore_mem>>) src(%arg9 : memref<80x144xf32, #tpu.memory_space<vmem>>) dst(%dma_wait3A_141 : memref<10240x144xf32, #tpu.memory_space<vmem_shared>>)
        tpu.yield
      }) : () -> ()
      %dma_wait3A_122 = arith.constant 0 : i32
      %dma_wait3A_123 = tpu.memref_slice %arg6[%add3A_113, %dma_wait3A_122] : memref<63x80xi32, #tpu.memory_space<vmem>> -> memref<1x80xi32, #tpu.memory_space<vmem>>
      %dma_wait3A_124 = tpu.memref_squeeze %dma_wait3A_123 : memref<1x80xi32, #tpu.memory_space<vmem>> -> memref<80xi32, #tpu.memory_space<vmem>>
      %dma_wait3A_125 = arith.constant 0 : i32
      %dma_wait3A_126 = arith.constant 0 : i32
      %dma_wait3A_127 = tpu.memref_slice %arg4[%dma_wait3A_125, %dma_wait3A_126] : memref<10000x144xf32, #tpu.memory_space<hbm>> -> memref<10000x144xf32, #tpu.memory_space<hbm>>
      tpu.wait_indirect_dma semaphore(%arg11 : memref<!tpu.dma_semaphore, #tpu.memory_space<semaphore_mem>>) src(%dma_wait3A_127 : memref<10000x144xf32, #tpu.memory_space<hbm>>) dst(%arg8 : memref<80x144xf32, #tpu.memory_space<vmem>>)
      %scan3A_128 = arith.constant 0 : i32
      scf.yield %scan3A_128 : i32
    }
    %scan3A_40 = arith.constant 31 : i32
    %run_scoped3A = arith.constant 62 : i32
    "tpu.region"() ({
      %run_scoped3A_94 = tpu.sem_alloc : memref<!tpu.dma_semaphore, #tpu.memory_space<semaphore_mem>>
      %dma_start3A_95 = arith.constant 0 : i32
      %dma_start3A_96 = tpu.memref_slice %arg7[%run_scoped3A, %dma_start3A_95] : memref<63x80xi32, #tpu.memory_space<vmem>> -> memref<1x80xi32, #tpu.memory_space<vmem>>
      %dma_start3A_97 = tpu.memref_squeeze %dma_start3A_96 : memref<1x80xi32, #tpu.memory_space<vmem>> -> memref<80xi32, #tpu.memory_space<vmem>>
      %dma_start3A_98 = arith.constant 0 : i32
      %dma_start3A_99 = arith.constant 0 : i32
      %dma_start3A_100 = tpu.memref_slice %arg10[%dma_start3A_98, %dma_start3A_99] : memref<10240x144xf32, #tpu.memory_space<vmem_shared>> -> memref<10240x144xf32, #tpu.memory_space<vmem_shared>>
      tpu.enqueue_indirect_dma source(%arg8 : memref<80x144xf32, #tpu.memory_space<vmem>>) target(%dma_start3A_100 : memref<10240x144xf32, #tpu.memory_space<vmem_shared>>) offsets(%dma_start3A_97 : memref<80xi32, #tpu.memory_space<vmem>>) semaphore(%run_scoped3A_94 : memref<!tpu.dma_semaphore, #tpu.memory_space<semaphore_mem>>) {add = true}
      %dma_wait3A_101 = arith.constant 0 : i32
      %dma_wait3A_102 = tpu.memref_slice %arg7[%run_scoped3A, %dma_wait3A_101] : memref<63x80xi32, #tpu.memory_space<vmem>> -> memref<1x80xi32, #tpu.memory_space<vmem>>
      %dma_wait3A_103 = tpu.memref_squeeze %dma_wait3A_102 : memref<1x80xi32, #tpu.memory_space<vmem>> -> memref<80xi32, #tpu.memory_space<vmem>>
      %dma_wait3A_104 = arith.constant 0 : i32
      %dma_wait3A_105 = arith.constant 0 : i32
      %dma_wait3A_106 = tpu.memref_slice %arg10[%dma_wait3A_104, %dma_wait3A_105] : memref<10240x144xf32, #tpu.memory_space<vmem_shared>> -> memref<10240x144xf32, #tpu.memory_space<vmem_shared>>
      tpu.wait_indirect_dma semaphore(%run_scoped3A_94 : memref<!tpu.dma_semaphore, #tpu.memory_space<semaphore_mem>>) src(%arg8 : memref<80x144xf32, #tpu.memory_space<vmem>>) dst(%dma_wait3A_106 : memref<10240x144xf32, #tpu.memory_space<vmem_shared>>)
      tpu.yield
    }) : () -> ()
    %add3A_41 = arith.constant 63 : i32
    %add3A_42 = arith.addi %mul3A_17, %add3A_41 : i32
    "tpu.region"() ({
      %run_scoped3A_94 = tpu.sem_alloc : memref<!tpu.dma_semaphore, #tpu.memory_space<semaphore_mem>>
      %dma_start3A_95 = arith.constant 0 : i32
      %dma_start3A_96 = arith.constant 0 : i32
      %dma_start3A_97 = tpu.memref_slice %arg6[%dma_start3A_95, %dma_start3A_96] : memref<63x80xi32, #tpu.memory_space<vmem>> -> memref<31x80xi32, #tpu.memory_space<vmem>>
      %dma_start3A_98 = arith.constant 0 : i32
      %dma_start3A_99 = tpu.memref_slice %arg2[%add3A_42, %dma_start3A_98] : memref<4000x80xi32, #tpu.memory_space<hbm>> -> memref<31x80xi32, #tpu.memory_space<hbm>>
      %dma_start3A_100 = arith.constant 0 : i32
      %dma_start3A_101 = arith.constant 0 : i32
      %dma_start3A_102 = tpu.memref_slice %arg6[%dma_start3A_100, %dma_start3A_101] : memref<63x80xi32, #tpu.memory_space<vmem>> -> memref<31x80xi32, #tpu.memory_space<vmem>>
      %dma_start3A_103 = arith.constant 0 : i32
      %dma_start3A_104 = tpu.memref_slice %arg2[%add3A_42, %dma_start3A_103] : memref<4000x80xi32, #tpu.memory_space<hbm>> -> memref<31x80xi32, #tpu.memory_space<hbm>>
      tpu.enqueue_dma source(%dma_start3A_104 : memref<31x80xi32, #tpu.memory_space<hbm>>) target(%dma_start3A_102 : memref<31x80xi32, #tpu.memory_space<vmem>>) target_semaphore(%run_scoped3A_94 : memref<!tpu.dma_semaphore, #tpu.memory_space<semaphore_mem>>)
      %dma_wait3A_105 = arith.constant 0 : i32
      %dma_wait3A_106 = arith.constant 0 : i32
      %dma_wait3A_107 = tpu.memref_slice %arg6[%dma_wait3A_105, %dma_wait3A_106] : memref<63x80xi32, #tpu.memory_space<vmem>> -> memref<31x80xi32, #tpu.memory_space<vmem>>
      %dma_wait3A_108 = arith.constant 0 : i32
      %dma_wait3A_109 = tpu.memref_slice %arg2[%add3A_42, %dma_wait3A_108] : memref<4000x80xi32, #tpu.memory_space<hbm>> -> memref<31x80xi32, #tpu.memory_space<hbm>>
      %dma_wait3A_110 = arith.constant 0 : i32
      %dma_wait3A_111 = arith.constant 0 : i32
      %dma_wait3A_112 = tpu.memref_slice %arg6[%dma_wait3A_110, %dma_wait3A_111] : memref<63x80xi32, #tpu.memory_space<vmem>> -> memref<31x80xi32, #tpu.memory_space<vmem>>
      %dma_wait3A_113 = arith.constant 0 : i32
      %dma_wait3A_114 = tpu.memref_slice %arg2[%add3A_42, %dma_wait3A_113] : memref<4000x80xi32, #tpu.memory_space<hbm>> -> memref<31x80xi32, #tpu.memory_space<hbm>>
      tpu.wait_dma2 semaphore(%run_scoped3A_94 : memref<!tpu.dma_semaphore, #tpu.memory_space<semaphore_mem>>) src(%dma_wait3A_114 : memref<31x80xi32, #tpu.memory_space<hbm>>) dst(%dma_wait3A_112 : memref<31x80xi32, #tpu.memory_space<vmem>>)
      tpu.yield
    }) : () -> ()
    %add3A_43 = arith.constant 63 : i32
    %add3A_44 = arith.addi %mul3A_17, %add3A_43 : i32
    "tpu.region"() ({
      %run_scoped3A_94 = tpu.sem_alloc : memref<!tpu.dma_semaphore, #tpu.memory_space<semaphore_mem>>
      %dma_start3A_95 = arith.constant 0 : i32
      %dma_start3A_96 = arith.constant 0 : i32
      %dma_start3A_97 = tpu.memref_slice %arg7[%dma_start3A_95, %dma_start3A_96] : memref<63x80xi32, #tpu.memory_space<vmem>> -> memref<31x80xi32, #tpu.memory_space<vmem>>
      %dma_start3A_98 = arith.constant 0 : i32
      %dma_start3A_99 = tpu.memref_slice %arg3[%add3A_44, %dma_start3A_98] : memref<4000x80xi32, #tpu.memory_space<hbm>> -> memref<31x80xi32, #tpu.memory_space<hbm>>
      %dma_start3A_100 = arith.constant 0 : i32
      %dma_start3A_101 = arith.constant 0 : i32
      %dma_start3A_102 = tpu.memref_slice %arg7[%dma_start3A_100, %dma_start3A_101] : memref<63x80xi32, #tpu.memory_space<vmem>> -> memref<31x80xi32, #tpu.memory_space<vmem>>
      %dma_start3A_103 = arith.constant 0 : i32
      %dma_start3A_104 = tpu.memref_slice %arg3[%add3A_44, %dma_start3A_103] : memref<4000x80xi32, #tpu.memory_space<hbm>> -> memref<31x80xi32, #tpu.memory_space<hbm>>
      tpu.enqueue_dma source(%dma_start3A_104 : memref<31x80xi32, #tpu.memory_space<hbm>>) target(%dma_start3A_102 : memref<31x80xi32, #tpu.memory_space<vmem>>) target_semaphore(%run_scoped3A_94 : memref<!tpu.dma_semaphore, #tpu.memory_space<semaphore_mem>>)
      %dma_wait3A_105 = arith.constant 0 : i32
      %dma_wait3A_106 = arith.constant 0 : i32
      %dma_wait3A_107 = tpu.memref_slice %arg7[%dma_wait3A_105, %dma_wait3A_106] : memref<63x80xi32, #tpu.memory_space<vmem>> -> memref<31x80xi32, #tpu.memory_space<vmem>>
      %dma_wait3A_108 = arith.constant 0 : i32
      %dma_wait3A_109 = tpu.memref_slice %arg3[%add3A_44, %dma_wait3A_108] : memref<4000x80xi32, #tpu.memory_space<hbm>> -> memref<31x80xi32, #tpu.memory_space<hbm>>
      %dma_wait3A_110 = arith.constant 0 : i32
      %dma_wait3A_111 = arith.constant 0 : i32
      %dma_wait3A_112 = tpu.memref_slice %arg7[%dma_wait3A_110, %dma_wait3A_111] : memref<63x80xi32, #tpu.memory_space<vmem>> -> memref<31x80xi32, #tpu.memory_space<vmem>>
      %dma_wait3A_113 = arith.constant 0 : i32
      %dma_wait3A_114 = tpu.memref_slice %arg3[%add3A_44, %dma_wait3A_113] : memref<4000x80xi32, #tpu.memory_space<hbm>> -> memref<31x80xi32, #tpu.memory_space<hbm>>
      tpu.wait_dma2 semaphore(%run_scoped3A_94 : memref<!tpu.dma_semaphore, #tpu.memory_space<semaphore_mem>>) src(%dma_wait3A_114 : memref<31x80xi32, #tpu.memory_space<hbm>>) dst(%dma_wait3A_112 : memref<31x80xi32, #tpu.memory_space<vmem>>)
      tpu.yield
    }) : () -> ()
    %dma_start3A_45 = arith.constant 0 : i32
    %dma_start3A_46 = arith.constant 0 : i32
    %dma_start3A_47 = tpu.memref_slice %arg6[%dma_start3A_45, %dma_start3A_46] : memref<63x80xi32, #tpu.memory_space<vmem>> -> memref<1x80xi32, #tpu.memory_space<vmem>>
    %dma_start3A_48 = tpu.memref_squeeze %dma_start3A_47 : memref<1x80xi32, #tpu.memory_space<vmem>> -> memref<80xi32, #tpu.memory_space<vmem>>
    %dma_start3A_49 = arith.constant 0 : i32
    %dma_start3A_50 = arith.constant 0 : i32
    %dma_start3A_51 = tpu.memref_slice %arg4[%dma_start3A_49, %dma_start3A_50] : memref<10000x144xf32, #tpu.memory_space<hbm>> -> memref<10000x144xf32, #tpu.memory_space<hbm>>
    tpu.enqueue_indirect_dma source(%dma_start3A_51 : memref<10000x144xf32, #tpu.memory_space<hbm>>) target(%arg8 : memref<80x144xf32, #tpu.memory_space<vmem>>) offsets(%dma_start3A_48 : memref<80xi32, #tpu.memory_space<vmem>>) semaphore(%arg11 : memref<!tpu.dma_semaphore, #tpu.memory_space<semaphore_mem>>)
    %dma_wait3A_52 = arith.constant 0 : i32
    %dma_wait3A_53 = arith.constant 0 : i32
    %dma_wait3A_54 = tpu.memref_slice %arg6[%dma_wait3A_52, %dma_wait3A_53] : memref<63x80xi32, #tpu.memory_space<vmem>> -> memref<1x80xi32, #tpu.memory_space<vmem>>
    %dma_wait3A_55 = tpu.memref_squeeze %dma_wait3A_54 : memref<1x80xi32, #tpu.memory_space<vmem>> -> memref<80xi32, #tpu.memory_space<vmem>>
    %dma_wait3A_56 = arith.constant 0 : i32
    %dma_wait3A_57 = arith.constant 0 : i32
    %dma_wait3A_58 = tpu.memref_slice %arg4[%dma_wait3A_56, %dma_wait3A_57] : memref<10000x144xf32, #tpu.memory_space<hbm>> -> memref<10000x144xf32, #tpu.memory_space<hbm>>
    tpu.wait_indirect_dma semaphore(%arg11 : memref<!tpu.dma_semaphore, #tpu.memory_space<semaphore_mem>>) src(%dma_wait3A_58 : memref<10000x144xf32, #tpu.memory_space<hbm>>) dst(%arg8 : memref<80x144xf32, #tpu.memory_space<vmem>>)
    %scan3A_59 = arith.constant 0 : i32
    %scan3A_60 = arith.constant 0 : i32
    %scan3A_61 = arith.constant 15 : i32
    %scan3A_62 = arith.addi %scan3A_60, %scan3A_61 : i32
    %scan3A_63 = arith.constant 1 : i32
    %scan3A_64 = scf.for %scan3A_94 = %scan3A_60 to %scan3A_62 step %scan3A_63 iter_args(%scan3A_95 = %scan3A_59) -> (i32)  : i32 {
      %mul3A_96 = arith.constant 2 : i32
      %mul3A_97 = arith.muli %mul3A_96, %scan3A_94 : i32
      %add3A_98 = arith.constant 1 : i32
      %add3A_99 = arith.addi %mul3A_97, %add3A_98 : i32
      %dma_start3A_100 = arith.constant 0 : i32
      %dma_start3A_101 = tpu.memref_slice %arg6[%add3A_99, %dma_start3A_100] : memref<63x80xi32, #tpu.memory_space<vmem>> -> memref<1x80xi32, #tpu.memory_space<vmem>>
      %dma_start3A_102 = tpu.memref_squeeze %dma_start3A_101 : memref<1x80xi32, #tpu.memory_space<vmem>> -> memref<80xi32, #tpu.memory_space<vmem>>
      %dma_start3A_103 = arith.constant 0 : i32
      %dma_start3A_104 = arith.constant 0 : i32
      %dma_start3A_105 = tpu.memref_slice %arg4[%dma_start3A_103, %dma_start3A_104] : memref<10000x144xf32, #tpu.memory_space<hbm>> -> memref<10000x144xf32, #tpu.memory_space<hbm>>
      tpu.enqueue_indirect_dma source(%dma_start3A_105 : memref<10000x144xf32, #tpu.memory_space<hbm>>) target(%arg9 : memref<80x144xf32, #tpu.memory_space<vmem>>) offsets(%dma_start3A_102 : memref<80xi32, #tpu.memory_space<vmem>>) semaphore(%arg11 : memref<!tpu.dma_semaphore, #tpu.memory_space<semaphore_mem>>)
      "tpu.region"() ({
        %run_scoped3A_129 = tpu.sem_alloc : memref<!tpu.dma_semaphore, #tpu.memory_space<semaphore_mem>>
        %dma_start3A_130 = arith.constant 0 : i32
        %dma_start3A_131 = tpu.memref_slice %arg7[%mul3A_97, %dma_start3A_130] : memref<63x80xi32, #tpu.memory_space<vmem>> -> memref<1x80xi32, #tpu.memory_space<vmem>>
        %dma_start3A_132 = tpu.memref_squeeze %dma_start3A_131 : memref<1x80xi32, #tpu.memory_space<vmem>> -> memref<80xi32, #tpu.memory_space<vmem>>
        %dma_start3A_133 = arith.constant 0 : i32
        %dma_start3A_134 = arith.constant 0 : i32
        %dma_start3A_135 = tpu.memref_slice %arg10[%dma_start3A_133, %dma_start3A_134] : memref<10240x144xf32, #tpu.memory_space<vmem_shared>> -> memref<10240x144xf32, #tpu.memory_space<vmem_shared>>
        tpu.enqueue_indirect_dma source(%arg8 : memref<80x144xf32, #tpu.memory_space<vmem>>) target(%dma_start3A_135 : memref<10240x144xf32, #tpu.memory_space<vmem_shared>>) offsets(%dma_start3A_132 : memref<80xi32, #tpu.memory_space<vmem>>) semaphore(%run_scoped3A_129 : memref<!tpu.dma_semaphore, #tpu.memory_space<semaphore_mem>>) {add = true}
        %dma_wait3A_136 = arith.constant 0 : i32
        %dma_wait3A_137 = tpu.memref_slice %arg7[%mul3A_97, %dma_wait3A_136] : memref<63x80xi32, #tpu.memory_space<vmem>> -> memref<1x80xi32, #tpu.memory_space<vmem>>
        %dma_wait3A_138 = tpu.memref_squeeze %dma_wait3A_137 : memref<1x80xi32, #tpu.memory_space<vmem>> -> memref<80xi32, #tpu.memory_space<vmem>>
        %dma_wait3A_139 = arith.constant 0 : i32
        %dma_wait3A_140 = arith.constant 0 : i32
        %dma_wait3A_141 = tpu.memref_slice %arg10[%dma_wait3A_139, %dma_wait3A_140] : memref<10240x144xf32, #tpu.memory_space<vmem_shared>> -> memref<10240x144xf32, #tpu.memory_space<vmem_shared>>
        tpu.wait_indirect_dma semaphore(%run_scoped3A_129 : memref<!tpu.dma_semaphore, #tpu.memory_space<semaphore_mem>>) src(%arg8 : memref<80x144xf32, #tpu.memory_space<vmem>>) dst(%dma_wait3A_141 : memref<10240x144xf32, #tpu.memory_space<vmem_shared>>)
        tpu.yield
      }) : () -> ()
      %dma_wait3A_106 = arith.constant 0 : i32
      %dma_wait3A_107 = tpu.memref_slice %arg6[%add3A_99, %dma_wait3A_106] : memref<63x80xi32, #tpu.memory_space<vmem>> -> memref<1x80xi32, #tpu.memory_space<vmem>>
      %dma_wait3A_108 = tpu.memref_squeeze %dma_wait3A_107 : memref<1x80xi32, #tpu.memory_space<vmem>> -> memref<80xi32, #tpu.memory_space<vmem>>
      %dma_wait3A_109 = arith.constant 0 : i32
      %dma_wait3A_110 = arith.constant 0 : i32
      %dma_wait3A_111 = tpu.memref_slice %arg4[%dma_wait3A_109, %dma_wait3A_110] : memref<10000x144xf32, #tpu.memory_space<hbm>> -> memref<10000x144xf32, #tpu.memory_space<hbm>>
      tpu.wait_indirect_dma semaphore(%arg11 : memref<!tpu.dma_semaphore, #tpu.memory_space<semaphore_mem>>) src(%dma_wait3A_111 : memref<10000x144xf32, #tpu.memory_space<hbm>>) dst(%arg9 : memref<80x144xf32, #tpu.memory_space<vmem>>)
      %add3A_112 = arith.constant 2 : i32
      %add3A_113 = arith.addi %mul3A_97, %add3A_112 : i32
      %dma_start3A_114 = arith.constant 0 : i32
      %dma_start3A_115 = tpu.memref_slice %arg6[%add3A_113, %dma_start3A_114] : memref<63x80xi32, #tpu.memory_space<vmem>> -> memref<1x80xi32, #tpu.memory_space<vmem>>
      %dma_start3A_116 = tpu.memref_squeeze %dma_start3A_115 : memref<1x80xi32, #tpu.memory_space<vmem>> -> memref<80xi32, #tpu.memory_space<vmem>>
      %dma_start3A_117 = arith.constant 0 : i32
      %dma_start3A_118 = arith.constant 0 : i32
      %dma_start3A_119 = tpu.memref_slice %arg4[%dma_start3A_117, %dma_start3A_118] : memref<10000x144xf32, #tpu.memory_space<hbm>> -> memref<10000x144xf32, #tpu.memory_space<hbm>>
      tpu.enqueue_indirect_dma source(%dma_start3A_119 : memref<10000x144xf32, #tpu.memory_space<hbm>>) target(%arg8 : memref<80x144xf32, #tpu.memory_space<vmem>>) offsets(%dma_start3A_116 : memref<80xi32, #tpu.memory_space<vmem>>) semaphore(%arg11 : memref<!tpu.dma_semaphore, #tpu.memory_space<semaphore_mem>>)
      %add3A_120 = arith.constant 1 : i32
      %add3A_121 = arith.addi %mul3A_97, %add3A_120 : i32
      "tpu.region"() ({
        %run_scoped3A_129 = tpu.sem_alloc : memref<!tpu.dma_semaphore, #tpu.memory_space<semaphore_mem>>
        %dma_start3A_130 = arith.constant 0 : i32
        %dma_start3A_131 = tpu.memref_slice %arg7[%add3A_121, %dma_start3A_130] : memref<63x80xi32, #tpu.memory_space<vmem>> -> memref<1x80xi32, #tpu.memory_space<vmem>>
        %dma_start3A_132 = tpu.memref_squeeze %dma_start3A_131 : memref<1x80xi32, #tpu.memory_space<vmem>> -> memref<80xi32, #tpu.memory_space<vmem>>
        %dma_start3A_133 = arith.constant 0 : i32
        %dma_start3A_134 = arith.constant 0 : i32
        %dma_start3A_135 = tpu.memref_slice %arg10[%dma_start3A_133, %dma_start3A_134] : memref<10240x144xf32, #tpu.memory_space<vmem_shared>> -> memref<10240x144xf32, #tpu.memory_space<vmem_shared>>
        tpu.enqueue_indirect_dma source(%arg9 : memref<80x144xf32, #tpu.memory_space<vmem>>) target(%dma_start3A_135 : memref<10240x144xf32, #tpu.memory_space<vmem_shared>>) offsets(%dma_start3A_132 : memref<80xi32, #tpu.memory_space<vmem>>) semaphore(%run_scoped3A_129 : memref<!tpu.dma_semaphore, #tpu.memory_space<semaphore_mem>>) {add = true}
        %dma_wait3A_136 = arith.constant 0 : i32
        %dma_wait3A_137 = tpu.memref_slice %arg7[%add3A_121, %dma_wait3A_136] : memref<63x80xi32, #tpu.memory_space<vmem>> -> memref<1x80xi32, #tpu.memory_space<vmem>>
        %dma_wait3A_138 = tpu.memref_squeeze %dma_wait3A_137 : memref<1x80xi32, #tpu.memory_space<vmem>> -> memref<80xi32, #tpu.memory_space<vmem>>
        %dma_wait3A_139 = arith.constant 0 : i32
        %dma_wait3A_140 = arith.constant 0 : i32
        %dma_wait3A_141 = tpu.memref_slice %arg10[%dma_wait3A_139, %dma_wait3A_140] : memref<10240x144xf32, #tpu.memory_space<vmem_shared>> -> memref<10240x144xf32, #tpu.memory_space<vmem_shared>>
        tpu.wait_indirect_dma semaphore(%run_scoped3A_129 : memref<!tpu.dma_semaphore, #tpu.memory_space<semaphore_mem>>) src(%arg9 : memref<80x144xf32, #tpu.memory_space<vmem>>) dst(%dma_wait3A_141 : memref<10240x144xf32, #tpu.memory_space<vmem_shared>>)
        tpu.yield
      }) : () -> ()
      %dma_wait3A_122 = arith.constant 0 : i32
      %dma_wait3A_123 = tpu.memref_slice %arg6[%add3A_113, %dma_wait3A_122] : memref<63x80xi32, #tpu.memory_space<vmem>> -> memref<1x80xi32, #tpu.memory_space<vmem>>
      %dma_wait3A_124 = tpu.memref_squeeze %dma_wait3A_123 : memref<1x80xi32, #tpu.memory_space<vmem>> -> memref<80xi32, #tpu.memory_space<vmem>>
      %dma_wait3A_125 = arith.constant 0 : i32
      %dma_wait3A_126 = arith.constant 0 : i32
      %dma_wait3A_127 = tpu.memref_slice %arg4[%dma_wait3A_125, %dma_wait3A_126] : memref<10000x144xf32, #tpu.memory_space<hbm>> -> memref<10000x144xf32, #tpu.memory_space<hbm>>
      tpu.wait_indirect_dma semaphore(%arg11 : memref<!tpu.dma_semaphore, #tpu.memory_space<semaphore_mem>>) src(%dma_wait3A_127 : memref<10000x144xf32, #tpu.memory_space<hbm>>) dst(%arg8 : memref<80x144xf32, #tpu.memory_space<vmem>>)
      %scan3A_128 = arith.constant 0 : i32
      scf.yield %scan3A_128 : i32
    }
    %scan3A_65 = arith.constant 15 : i32
    %run_scoped3A_66 = arith.constant 30 : i32
    "tpu.region"() ({
      %run_scoped3A_94 = tpu.sem_alloc : memref<!tpu.dma_semaphore, #tpu.memory_space<semaphore_mem>>
      %dma_start3A_95 = arith.constant 0 : i32
      %dma_start3A_96 = tpu.memref_slice %arg7[%run_scoped3A_66, %dma_start3A_95] : memref<63x80xi32, #tpu.memory_space<vmem>> -> memref<1x80xi32, #tpu.memory_space<vmem>>
      %dma_start3A_97 = tpu.memref_squeeze %dma_start3A_96 : memref<1x80xi32, #tpu.memory_space<vmem>> -> memref<80xi32, #tpu.memory_space<vmem>>
      %dma_start3A_98 = arith.constant 0 : i32
      %dma_start3A_99 = arith.constant 0 : i32
      %dma_start3A_100 = tpu.memref_slice %arg10[%dma_start3A_98, %dma_start3A_99] : memref<10240x144xf32, #tpu.memory_space<vmem_shared>> -> memref<10240x144xf32, #tpu.memory_space<vmem_shared>>
      tpu.enqueue_indirect_dma source(%arg8 : memref<80x144xf32, #tpu.memory_space<vmem>>) target(%dma_start3A_100 : memref<10240x144xf32, #tpu.memory_space<vmem_shared>>) offsets(%dma_start3A_97 : memref<80xi32, #tpu.memory_space<vmem>>) semaphore(%run_scoped3A_94 : memref<!tpu.dma_semaphore, #tpu.memory_space<semaphore_mem>>) {add = true}
      %dma_wait3A_101 = arith.constant 0 : i32
      %dma_wait3A_102 = tpu.memref_slice %arg7[%run_scoped3A_66, %dma_wait3A_101] : memref<63x80xi32, #tpu.memory_space<vmem>> -> memref<1x80xi32, #tpu.memory_space<vmem>>
      %dma_wait3A_103 = tpu.memref_squeeze %dma_wait3A_102 : memref<1x80xi32, #tpu.memory_space<vmem>> -> memref<80xi32, #tpu.memory_space<vmem>>
      %dma_wait3A_104 = arith.constant 0 : i32
      %dma_wait3A_105 = arith.constant 0 : i32
      %dma_wait3A_106 = tpu.memref_slice %arg10[%dma_wait3A_104, %dma_wait3A_105] : memref<10240x144xf32, #tpu.memory_space<vmem_shared>> -> memref<10240x144xf32, #tpu.memory_space<vmem_shared>>
      tpu.wait_indirect_dma semaphore(%run_scoped3A_94 : memref<!tpu.dma_semaphore, #tpu.memory_space<semaphore_mem>>) src(%arg8 : memref<80x144xf32, #tpu.memory_space<vmem>>) dst(%dma_wait3A_106 : memref<10240x144xf32, #tpu.memory_space<vmem_shared>>)
      tpu.yield
    }) : () -> ()
    %add3A_67 = arith.constant 94 : i32
    %add3A_68 = arith.addi %mul3A_17, %add3A_67 : i32
    "tpu.region"() ({
      %run_scoped3A_94 = tpu.sem_alloc : memref<!tpu.dma_semaphore, #tpu.memory_space<semaphore_mem>>
      %dma_start3A_95 = arith.constant 0 : i32
      %dma_start3A_96 = arith.constant 0 : i32
      %dma_start3A_97 = tpu.memref_slice %arg6[%dma_start3A_95, %dma_start3A_96] : memref<63x80xi32, #tpu.memory_space<vmem>> -> memref<31x80xi32, #tpu.memory_space<vmem>>
      %dma_start3A_98 = arith.constant 0 : i32
      %dma_start3A_99 = tpu.memref_slice %arg2[%add3A_68, %dma_start3A_98] : memref<4000x80xi32, #tpu.memory_space<hbm>> -> memref<31x80xi32, #tpu.memory_space<hbm>>
      %dma_start3A_100 = arith.constant 0 : i32
      %dma_start3A_101 = arith.constant 0 : i32
      %dma_start3A_102 = tpu.memref_slice %arg6[%dma_start3A_100, %dma_start3A_101] : memref<63x80xi32, #tpu.memory_space<vmem>> -> memref<31x80xi32, #tpu.memory_space<vmem>>
      %dma_start3A_103 = arith.constant 0 : i32
      %dma_start3A_104 = tpu.memref_slice %arg2[%add3A_68, %dma_start3A_103] : memref<4000x80xi32, #tpu.memory_space<hbm>> -> memref<31x80xi32, #tpu.memory_space<hbm>>
      tpu.enqueue_dma source(%dma_start3A_104 : memref<31x80xi32, #tpu.memory_space<hbm>>) target(%dma_start3A_102 : memref<31x80xi32, #tpu.memory_space<vmem>>) target_semaphore(%run_scoped3A_94 : memref<!tpu.dma_semaphore, #tpu.memory_space<semaphore_mem>>)
      %dma_wait3A_105 = arith.constant 0 : i32
      %dma_wait3A_106 = arith.constant 0 : i32
      %dma_wait3A_107 = tpu.memref_slice %arg6[%dma_wait3A_105, %dma_wait3A_106] : memref<63x80xi32, #tpu.memory_space<vmem>> -> memref<31x80xi32, #tpu.memory_space<vmem>>
      %dma_wait3A_108 = arith.constant 0 : i32
      %dma_wait3A_109 = tpu.memref_slice %arg2[%add3A_68, %dma_wait3A_108] : memref<4000x80xi32, #tpu.memory_space<hbm>> -> memref<31x80xi32, #tpu.memory_space<hbm>>
      %dma_wait3A_110 = arith.constant 0 : i32
      %dma_wait3A_111 = arith.constant 0 : i32
      %dma_wait3A_112 = tpu.memref_slice %arg6[%dma_wait3A_110, %dma_wait3A_111] : memref<63x80xi32, #tpu.memory_space<vmem>> -> memref<31x80xi32, #tpu.memory_space<vmem>>
      %dma_wait3A_113 = arith.constant 0 : i32
      %dma_wait3A_114 = tpu.memref_slice %arg2[%add3A_68, %dma_wait3A_113] : memref<4000x80xi32, #tpu.memory_space<hbm>> -> memref<31x80xi32, #tpu.memory_space<hbm>>
      tpu.wait_dma2 semaphore(%run_scoped3A_94 : memref<!tpu.dma_semaphore, #tpu.memory_space<semaphore_mem>>) src(%dma_wait3A_114 : memref<31x80xi32, #tpu.memory_space<hbm>>) dst(%dma_wait3A_112 : memref<31x80xi32, #tpu.memory_space<vmem>>)
      tpu.yield
    }) : () -> ()
    %add3A_69 = arith.constant 94 : i32
    %add3A_70 = arith.addi %mul3A_17, %add3A_69 : i32
    "tpu.region"() ({
      %run_scoped3A_94 = tpu.sem_alloc : memref<!tpu.dma_semaphore, #tpu.memory_space<semaphore_mem>>
      %dma_start3A_95 = arith.constant 0 : i32
      %dma_start3A_96 = arith.constant 0 : i32
      %dma_start3A_97 = tpu.memref_slice %arg7[%dma_start3A_95, %dma_start3A_96] : memref<63x80xi32, #tpu.memory_space<vmem>> -> memref<31x80xi32, #tpu.memory_space<vmem>>
      %dma_start3A_98 = arith.constant 0 : i32
      %dma_start3A_99 = tpu.memref_slice %arg3[%add3A_70, %dma_start3A_98] : memref<4000x80xi32, #tpu.memory_space<hbm>> -> memref<31x80xi32, #tpu.memory_space<hbm>>
      %dma_start3A_100 = arith.constant 0 : i32
      %dma_start3A_101 = arith.constant 0 : i32
      %dma_start3A_102 = tpu.memref_slice %arg7[%dma_start3A_100, %dma_start3A_101] : memref<63x80xi32, #tpu.memory_space<vmem>> -> memref<31x80xi32, #tpu.memory_space<vmem>>
      %dma_start3A_103 = arith.constant 0 : i32
      %dma_start3A_104 = tpu.memref_slice %arg3[%add3A_70, %dma_start3A_103] : memref<4000x80xi32, #tpu.memory_space<hbm>> -> memref<31x80xi32, #tpu.memory_space<hbm>>
      tpu.enqueue_dma source(%dma_start3A_104 : memref<31x80xi32, #tpu.memory_space<hbm>>) target(%dma_start3A_102 : memref<31x80xi32, #tpu.memory_space<vmem>>) target_semaphore(%run_scoped3A_94 : memref<!tpu.dma_semaphore, #tpu.memory_space<semaphore_mem>>)
      %dma_wait3A_105 = arith.constant 0 : i32
      %dma_wait3A_106 = arith.constant 0 : i32
      %dma_wait3A_107 = tpu.memref_slice %arg7[%dma_wait3A_105, %dma_wait3A_106] : memref<63x80xi32, #tpu.memory_space<vmem>> -> memref<31x80xi32, #tpu.memory_space<vmem>>
      %dma_wait3A_108 = arith.constant 0 : i32
      %dma_wait3A_109 = tpu.memref_slice %arg3[%add3A_70, %dma_wait3A_108] : memref<4000x80xi32, #tpu.memory_space<hbm>> -> memref<31x80xi32, #tpu.memory_space<hbm>>
      %dma_wait3A_110 = arith.constant 0 : i32
      %dma_wait3A_111 = arith.constant 0 : i32
      %dma_wait3A_112 = tpu.memref_slice %arg7[%dma_wait3A_110, %dma_wait3A_111] : memref<63x80xi32, #tpu.memory_space<vmem>> -> memref<31x80xi32, #tpu.memory_space<vmem>>
      %dma_wait3A_113 = arith.constant 0 : i32
      %dma_wait3A_114 = tpu.memref_slice %arg3[%add3A_70, %dma_wait3A_113] : memref<4000x80xi32, #tpu.memory_space<hbm>> -> memref<31x80xi32, #tpu.memory_space<hbm>>
      tpu.wait_dma2 semaphore(%run_scoped3A_94 : memref<!tpu.dma_semaphore, #tpu.memory_space<semaphore_mem>>) src(%dma_wait3A_114 : memref<31x80xi32, #tpu.memory_space<hbm>>) dst(%dma_wait3A_112 : memref<31x80xi32, #tpu.memory_space<vmem>>)
      tpu.yield
    }) : () -> ()
    %dma_start3A_71 = arith.constant 0 : i32
    %dma_start3A_72 = arith.constant 0 : i32
    %dma_start3A_73 = tpu.memref_slice %arg6[%dma_start3A_71, %dma_start3A_72] : memref<63x80xi32, #tpu.memory_space<vmem>> -> memref<1x80xi32, #tpu.memory_space<vmem>>
    %dma_start3A_74 = tpu.memref_squeeze %dma_start3A_73 : memref<1x80xi32, #tpu.memory_space<vmem>> -> memref<80xi32, #tpu.memory_space<vmem>>
    %dma_start3A_75 = arith.constant 0 : i32
    %dma_start3A_76 = arith.constant 0 : i32
    %dma_start3A_77 = tpu.memref_slice %arg4[%dma_start3A_75, %dma_start3A_76] : memref<10000x144xf32, #tpu.memory_space<hbm>> -> memref<10000x144xf32, #tpu.memory_space<hbm>>
    tpu.enqueue_indirect_dma source(%dma_start3A_77 : memref<10000x144xf32, #tpu.memory_space<hbm>>) target(%arg8 : memref<80x144xf32, #tpu.memory_space<vmem>>) offsets(%dma_start3A_74 : memref<80xi32, #tpu.memory_space<vmem>>) semaphore(%arg11 : memref<!tpu.dma_semaphore, #tpu.memory_space<semaphore_mem>>)
    %dma_wait3A_78 = arith.constant 0 : i32
    %dma_wait3A_79 = arith.constant 0 : i32
    %dma_wait3A_80 = tpu.memref_slice %arg6[%dma_wait3A_78, %dma_wait3A_79] : memref<63x80xi32, #tpu.memory_space<vmem>> -> memref<1x80xi32, #tpu.memory_space<vmem>>
    %dma_wait3A_81 = tpu.memref_squeeze %dma_wait3A_80 : memref<1x80xi32, #tpu.memory_space<vmem>> -> memref<80xi32, #tpu.memory_space<vmem>>
    %dma_wait3A_82 = arith.constant 0 : i32
    %dma_wait3A_83 = arith.constant 0 : i32
    %dma_wait3A_84 = tpu.memref_slice %arg4[%dma_wait3A_82, %dma_wait3A_83] : memref<10000x144xf32, #tpu.memory_space<hbm>> -> memref<10000x144xf32, #tpu.memory_space<hbm>>
    tpu.wait_indirect_dma semaphore(%arg11 : memref<!tpu.dma_semaphore, #tpu.memory_space<semaphore_mem>>) src(%dma_wait3A_84 : memref<10000x144xf32, #tpu.memory_space<hbm>>) dst(%arg8 : memref<80x144xf32, #tpu.memory_space<vmem>>)
    %scan3A_85 = arith.constant 0 : i32
    %scan3A_86 = arith.constant 0 : i32
    %scan3A_87 = arith.constant 15 : i32
    %scan3A_88 = arith.addi %scan3A_86, %scan3A_87 : i32
    %scan3A_89 = arith.constant 1 : i32
    %scan3A_90 = scf.for %scan3A_94 = %scan3A_86 to %scan3A_88 step %scan3A_89 iter_args(%scan3A_95 = %scan3A_85) -> (i32)  : i32 {
      %mul3A_96 = arith.constant 2 : i32
      %mul3A_97 = arith.muli %mul3A_96, %scan3A_94 : i32
      %add3A_98 = arith.constant 1 : i32
      %add3A_99 = arith.addi %mul3A_97, %add3A_98 : i32
      %dma_start3A_100 = arith.constant 0 : i32
      %dma_start3A_101 = tpu.memref_slice %arg6[%add3A_99, %dma_start3A_100] : memref<63x80xi32, #tpu.memory_space<vmem>> -> memref<1x80xi32, #tpu.memory_space<vmem>>
      %dma_start3A_102 = tpu.memref_squeeze %dma_start3A_101 : memref<1x80xi32, #tpu.memory_space<vmem>> -> memref<80xi32, #tpu.memory_space<vmem>>
      %dma_start3A_103 = arith.constant 0 : i32
      %dma_start3A_104 = arith.constant 0 : i32
      %dma_start3A_105 = tpu.memref_slice %arg4[%dma_start3A_103, %dma_start3A_104] : memref<10000x144xf32, #tpu.memory_space<hbm>> -> memref<10000x144xf32, #tpu.memory_space<hbm>>
      tpu.enqueue_indirect_dma source(%dma_start3A_105 : memref<10000x144xf32, #tpu.memory_space<hbm>>) target(%arg9 : memref<80x144xf32, #tpu.memory_space<vmem>>) offsets(%dma_start3A_102 : memref<80xi32, #tpu.memory_space<vmem>>) semaphore(%arg11 : memref<!tpu.dma_semaphore, #tpu.memory_space<semaphore_mem>>)
      "tpu.region"() ({
        %run_scoped3A_129 = tpu.sem_alloc : memref<!tpu.dma_semaphore, #tpu.memory_space<semaphore_mem>>
        %dma_start3A_130 = arith.constant 0 : i32
        %dma_start3A_131 = tpu.memref_slice %arg7[%mul3A_97, %dma_start3A_130] : memref<63x80xi32, #tpu.memory_space<vmem>> -> memref<1x80xi32, #tpu.memory_space<vmem>>
        %dma_start3A_132 = tpu.memref_squeeze %dma_start3A_131 : memref<1x80xi32, #tpu.memory_space<vmem>> -> memref<80xi32, #tpu.memory_space<vmem>>
        %dma_start3A_133 = arith.constant 0 : i32
        %dma_start3A_134 = arith.constant 0 : i32
        %dma_start3A_135 = tpu.memref_slice %arg10[%dma_start3A_133, %dma_start3A_134] : memref<10240x144xf32, #tpu.memory_space<vmem_shared>> -> memref<10240x144xf32, #tpu.memory_space<vmem_shared>>
        tpu.enqueue_indirect_dma source(%arg8 : memref<80x144xf32, #tpu.memory_space<vmem>>) target(%dma_start3A_135 : memref<10240x144xf32, #tpu.memory_space<vmem_shared>>) offsets(%dma_start3A_132 : memref<80xi32, #tpu.memory_space<vmem>>) semaphore(%run_scoped3A_129 : memref<!tpu.dma_semaphore, #tpu.memory_space<semaphore_mem>>) {add = true}
        %dma_wait3A_136 = arith.constant 0 : i32
        %dma_wait3A_137 = tpu.memref_slice %arg7[%mul3A_97, %dma_wait3A_136] : memref<63x80xi32, #tpu.memory_space<vmem>> -> memref<1x80xi32, #tpu.memory_space<vmem>>
        %dma_wait3A_138 = tpu.memref_squeeze %dma_wait3A_137 : memref<1x80xi32, #tpu.memory_space<vmem>> -> memref<80xi32, #tpu.memory_space<vmem>>
        %dma_wait3A_139 = arith.constant 0 : i32
        %dma_wait3A_140 = arith.constant 0 : i32
        %dma_wait3A_141 = tpu.memref_slice %arg10[%dma_wait3A_139, %dma_wait3A_140] : memref<10240x144xf32, #tpu.memory_space<vmem_shared>> -> memref<10240x144xf32, #tpu.memory_space<vmem_shared>>
        tpu.wait_indirect_dma semaphore(%run_scoped3A_129 : memref<!tpu.dma_semaphore, #tpu.memory_space<semaphore_mem>>) src(%arg8 : memref<80x144xf32, #tpu.memory_space<vmem>>) dst(%dma_wait3A_141 : memref<10240x144xf32, #tpu.memory_space<vmem_shared>>)
        tpu.yield
      }) : () -> ()
      %dma_wait3A_106 = arith.constant 0 : i32
      %dma_wait3A_107 = tpu.memref_slice %arg6[%add3A_99, %dma_wait3A_106] : memref<63x80xi32, #tpu.memory_space<vmem>> -> memref<1x80xi32, #tpu.memory_space<vmem>>
      %dma_wait3A_108 = tpu.memref_squeeze %dma_wait3A_107 : memref<1x80xi32, #tpu.memory_space<vmem>> -> memref<80xi32, #tpu.memory_space<vmem>>
      %dma_wait3A_109 = arith.constant 0 : i32
      %dma_wait3A_110 = arith.constant 0 : i32
      %dma_wait3A_111 = tpu.memref_slice %arg4[%dma_wait3A_109, %dma_wait3A_110] : memref<10000x144xf32, #tpu.memory_space<hbm>> -> memref<10000x144xf32, #tpu.memory_space<hbm>>
      tpu.wait_indirect_dma semaphore(%arg11 : memref<!tpu.dma_semaphore, #tpu.memory_space<semaphore_mem>>) src(%dma_wait3A_111 : memref<10000x144xf32, #tpu.memory_space<hbm>>) dst(%arg9 : memref<80x144xf32, #tpu.memory_space<vmem>>)
      %add3A_112 = arith.constant 2 : i32
      %add3A_113 = arith.addi %mul3A_97, %add3A_112 : i32
      %dma_start3A_114 = arith.constant 0 : i32
      %dma_start3A_115 = tpu.memref_slice %arg6[%add3A_113, %dma_start3A_114] : memref<63x80xi32, #tpu.memory_space<vmem>> -> memref<1x80xi32, #tpu.memory_space<vmem>>
      %dma_start3A_116 = tpu.memref_squeeze %dma_start3A_115 : memref<1x80xi32, #tpu.memory_space<vmem>> -> memref<80xi32, #tpu.memory_space<vmem>>
      %dma_start3A_117 = arith.constant 0 : i32
      %dma_start3A_118 = arith.constant 0 : i32
      %dma_start3A_119 = tpu.memref_slice %arg4[%dma_start3A_117, %dma_start3A_118] : memref<10000x144xf32, #tpu.memory_space<hbm>> -> memref<10000x144xf32, #tpu.memory_space<hbm>>
      tpu.enqueue_indirect_dma source(%dma_start3A_119 : memref<10000x144xf32, #tpu.memory_space<hbm>>) target(%arg8 : memref<80x144xf32, #tpu.memory_space<vmem>>) offsets(%dma_start3A_116 : memref<80xi32, #tpu.memory_space<vmem>>) semaphore(%arg11 : memref<!tpu.dma_semaphore, #tpu.memory_space<semaphore_mem>>)
      %add3A_120 = arith.constant 1 : i32
      %add3A_121 = arith.addi %mul3A_97, %add3A_120 : i32
      "tpu.region"() ({
        %run_scoped3A_129 = tpu.sem_alloc : memref<!tpu.dma_semaphore, #tpu.memory_space<semaphore_mem>>
        %dma_start3A_130 = arith.constant 0 : i32
        %dma_start3A_131 = tpu.memref_slice %arg7[%add3A_121, %dma_start3A_130] : memref<63x80xi32, #tpu.memory_space<vmem>> -> memref<1x80xi32, #tpu.memory_space<vmem>>
        %dma_start3A_132 = tpu.memref_squeeze %dma_start3A_131 : memref<1x80xi32, #tpu.memory_space<vmem>> -> memref<80xi32, #tpu.memory_space<vmem>>
        %dma_start3A_133 = arith.constant 0 : i32
        %dma_start3A_134 = arith.constant 0 : i32
        %dma_start3A_135 = tpu.memref_slice %arg10[%dma_start3A_133, %dma_start3A_134] : memref<10240x144xf32, #tpu.memory_space<vmem_shared>> -> memref<10240x144xf32, #tpu.memory_space<vmem_shared>>
        tpu.enqueue_indirect_dma source(%arg9 : memref<80x144xf32, #tpu.memory_space<vmem>>) target(%dma_start3A_135 : memref<10240x144xf32, #tpu.memory_space<vmem_shared>>) offsets(%dma_start3A_132 : memref<80xi32, #tpu.memory_space<vmem>>) semaphore(%run_scoped3A_129 : memref<!tpu.dma_semaphore, #tpu.memory_space<semaphore_mem>>) {add = true}
        %dma_wait3A_136 = arith.constant 0 : i32
        %dma_wait3A_137 = tpu.memref_slice %arg7[%add3A_121, %dma_wait3A_136] : memref<63x80xi32, #tpu.memory_space<vmem>> -> memref<1x80xi32, #tpu.memory_space<vmem>>
        %dma_wait3A_138 = tpu.memref_squeeze %dma_wait3A_137 : memref<1x80xi32, #tpu.memory_space<vmem>> -> memref<80xi32, #tpu.memory_space<vmem>>
        %dma_wait3A_139 = arith.constant 0 : i32
        %dma_wait3A_140 = arith.constant 0 : i32
        %dma_wait3A_141 = tpu.memref_slice %arg10[%dma_wait3A_139, %dma_wait3A_140] : memref<10240x144xf32, #tpu.memory_space<vmem_shared>> -> memref<10240x144xf32, #tpu.memory_space<vmem_shared>>
        tpu.wait_indirect_dma semaphore(%run_scoped3A_129 : memref<!tpu.dma_semaphore, #tpu.memory_space<semaphore_mem>>) src(%arg9 : memref<80x144xf32, #tpu.memory_space<vmem>>) dst(%dma_wait3A_141 : memref<10240x144xf32, #tpu.memory_space<vmem_shared>>)
        tpu.yield
      }) : () -> ()
      %dma_wait3A_122 = arith.constant 0 : i32
      %dma_wait3A_123 = tpu.memref_slice %arg6[%add3A_113, %dma_wait3A_122] : memref<63x80xi32, #tpu.memory_space<vmem>> -> memref<1x80xi32, #tpu.memory_space<vmem>>
      %dma_wait3A_124 = tpu.memref_squeeze %dma_wait3A_123 : memref<1x80xi32, #tpu.memory_space<vmem>> -> memref<80xi32, #tpu.memory_space<vmem>>
      %dma_wait3A_125 = arith.constant 0 : i32
      %dma_wait3A_126 = arith.constant 0 : i32
      %dma_wait3A_127 = tpu.memref_slice %arg4[%dma_wait3A_125, %dma_wait3A_126] : memref<10000x144xf32, #tpu.memory_space<hbm>> -> memref<10000x144xf32, #tpu.memory_space<hbm>>
      tpu.wait_indirect_dma semaphore(%arg11 : memref<!tpu.dma_semaphore, #tpu.memory_space<semaphore_mem>>) src(%dma_wait3A_127 : memref<10000x144xf32, #tpu.memory_space<hbm>>) dst(%arg8 : memref<80x144xf32, #tpu.memory_space<vmem>>)
      %scan3A_128 = arith.constant 0 : i32
      scf.yield %scan3A_128 : i32
    }
    %scan3A_91 = arith.constant 15 : i32
    %run_scoped3A_92 = arith.constant 30 : i32
    "tpu.region"() ({
      %run_scoped3A_94 = tpu.sem_alloc : memref<!tpu.dma_semaphore, #tpu.memory_space<semaphore_mem>>
      %dma_start3A_95 = arith.constant 0 : i32
      %dma_start3A_96 = tpu.memref_slice %arg7[%run_scoped3A_92, %dma_start3A_95] : memref<63x80xi32, #tpu.memory_space<vmem>> -> memref<1x80xi32, #tpu.memory_space<vmem>>
      %dma_start3A_97 = tpu.memref_squeeze %dma_start3A_96 : memref<1x80xi32, #tpu.memory_space<vmem>> -> memref<80xi32, #tpu.memory_space<vmem>>
      %dma_start3A_98 = arith.constant 0 : i32
      %dma_start3A_99 = arith.constant 0 : i32
      %dma_start3A_100 = tpu.memref_slice %arg10[%dma_start3A_98, %dma_start3A_99] : memref<10240x144xf32, #tpu.memory_space<vmem_shared>> -> memref<10240x144xf32, #tpu.memory_space<vmem_shared>>
      tpu.enqueue_indirect_dma source(%arg8 : memref<80x144xf32, #tpu.memory_space<vmem>>) target(%dma_start3A_100 : memref<10240x144xf32, #tpu.memory_space<vmem_shared>>) offsets(%dma_start3A_97 : memref<80xi32, #tpu.memory_space<vmem>>) semaphore(%run_scoped3A_94 : memref<!tpu.dma_semaphore, #tpu.memory_space<semaphore_mem>>) {add = true}
      %dma_wait3A_101 = arith.constant 0 : i32
      %dma_wait3A_102 = tpu.memref_slice %arg7[%run_scoped3A_92, %dma_wait3A_101] : memref<63x80xi32, #tpu.memory_space<vmem>> -> memref<1x80xi32, #tpu.memory_space<vmem>>
      %dma_wait3A_103 = tpu.memref_squeeze %dma_wait3A_102 : memref<1x80xi32, #tpu.memory_space<vmem>> -> memref<80xi32, #tpu.memory_space<vmem>>
      %dma_wait3A_104 = arith.constant 0 : i32
      %dma_wait3A_105 = arith.constant 0 : i32
      %dma_wait3A_106 = tpu.memref_slice %arg10[%dma_wait3A_104, %dma_wait3A_105] : memref<10240x144xf32, #tpu.memory_space<vmem_shared>> -> memref<10240x144xf32, #tpu.memory_space<vmem_shared>>
      tpu.wait_indirect_dma semaphore(%run_scoped3A_94 : memref<!tpu.dma_semaphore, #tpu.memory_space<semaphore_mem>>) src(%arg8 : memref<80x144xf32, #tpu.memory_space<vmem>>) dst(%dma_wait3A_106 : memref<10240x144xf32, #tpu.memory_space<vmem_shared>>)
      tpu.yield
    }) : () -> ()
    %barrier3A_93 = arith.constant 0 : index
    tpu.barrier barrier_id(%barrier3A_93)
    "tpu.region"() ({
      %run_scoped3A_94 = tpu.sem_alloc : memref<!tpu.dma_semaphore, #tpu.memory_space<semaphore_mem>>
      %dma_start3A_95 = arith.constant 0 : i32
      %dma_start3A_96 = tpu.memref_slice %arg5[%arg0, %mul3A_8, %dma_start3A_95] : memref<2x10240x144xf32, #tpu.memory_space<hbm>> -> memref<1x640x144xf32, #tpu.memory_space<hbm>>
      %dma_start3A_97 = tpu.memref_squeeze %dma_start3A_96 : memref<1x640x144xf32, #tpu.memory_space<hbm>> -> memref<640x144xf32, #tpu.memory_space<hbm>>
      %dma_start3A_98 = arith.constant 0 : i32
      %dma_start3A_99 = tpu.memref_slice %arg10[%mul3A_8, %dma_start3A_98] : memref<10240x144xf32, #tpu.memory_space<vmem_shared>> -> memref<640x144xf32, #tpu.memory_space<vmem_shared>>
      tpu.enqueue_dma source(%dma_start3A_99 : memref<640x144xf32, #tpu.memory_space<vmem_shared>>) target(%dma_start3A_97 : memref<640x144xf32, #tpu.memory_space<hbm>>) target_semaphore(%run_scoped3A_94 : memref<!tpu.dma_semaphore, #tpu.memory_space<semaphore_mem>>)
      %dma_wait3A_100 = arith.constant 0 : i32
      %dma_wait3A_101 = tpu.memref_slice %arg5[%arg0, %mul3A_8, %dma_wait3A_100] : memref<2x10240x144xf32, #tpu.memory_space<hbm>> -> memref<1x640x144xf32, #tpu.memory_space<hbm>>
      %dma_wait3A_102 = tpu.memref_squeeze %dma_wait3A_101 : memref<1x640x144xf32, #tpu.memory_space<hbm>> -> memref<640x144xf32, #tpu.memory_space<hbm>>
      %dma_wait3A_103 = arith.constant 0 : i32
      %dma_wait3A_104 = tpu.memref_slice %arg10[%mul3A_8, %dma_wait3A_103] : memref<10240x144xf32, #tpu.memory_space<vmem_shared>> -> memref<640x144xf32, #tpu.memory_space<vmem_shared>>
      tpu.wait_dma2 semaphore(%run_scoped3A_94 : memref<!tpu.dma_semaphore, #tpu.memory_space<semaphore_mem>>) src(%dma_wait3A_104 : memref<640x144xf32, #tpu.memory_space<vmem_shared>>) dst(%dma_wait3A_102 : memref<640x144xf32, #tpu.memory_space<hbm>>)
      tpu.yield
    }) : () -> ()
    return
  }
}

module attributes {stable_mosaic.version = 14 : i64} {
  func.func @_prep_body(%arg0: memref<10000x128xf32, #tpu.memory_space<vmem>>, %arg1: memref<128x128xf32, #tpu.memory_space<vmem>>, %arg2: memref<1x128xf32, #tpu.memory_space<vmem>>, %arg3: memref<128x128xf32, #tpu.memory_space<vmem>>, %arg4: memref<1x128xf32, #tpu.memory_space<vmem>>, %arg5: memref<128x8xf32, #tpu.memory_space<vmem>>, %arg6: memref<10000x144xf32, #tpu.memory_space<vmem>>, %arg7: memref<10000x128xf32, #tpu.memory_space<vmem>>) attributes {dimension_semantics = [], scalar_prefetch = 0 : i64, scratch_operands = 0 : i64, tpu.core_type = #tpu.core_type<tc>} {
    %get3A = arith.constant 0 : index
    %get3A_0 = arith.constant 0 : index
    %get3A_1 = vector.load %arg0[%get3A, %get3A_0] : memref<10000x128xf32, #tpu.memory_space<vmem>>, vector<10000x128xf32>
    %get3A_2 = arith.constant 0 : index
    %get3A_3 = arith.constant 0 : index
    %get3A_4 = vector.load %arg1[%get3A_2, %get3A_3] : memref<128x128xf32, #tpu.memory_space<vmem>>, vector<128x128xf32>
    %dot_general3A = arith.constant dense<0.000000e+00> : vector<10000x128xf32>
    %dot_general3A_5 = tpu.matmul %get3A_1, %get3A_4, %dot_general3A {dimension_numbers = #tpu.dot_dimension_numbers<[1], [1], [0], [0], [0, 0, 1, 0], [], []>, transpose_lhs_hint = false} : vector<10000x128xf32>, vector<128x128xf32>, vector<10000x128xf32> -> vector<10000x128xf32>
    %get3A_6 = arith.constant 0 : index
    %get3A_7 = arith.constant 0 : index
    %get3A_8 = vector.load %arg2[%get3A_6, %get3A_7] : memref<1x128xf32, #tpu.memory_space<vmem>>, vector<1x128xf32>
    %add3A = vector.broadcast %get3A_8 : vector<1x128xf32> to vector<10000x128xf32>
    %add3A_9 = arith.addf %dot_general3A_5, %add3A : vector<10000x128xf32>
    %get3A_10 = arith.constant 0 : index
    %get3A_11 = arith.constant 0 : index
    %get3A_12 = vector.load %arg3[%get3A_10, %get3A_11] : memref<128x128xf32, #tpu.memory_space<vmem>>, vector<128x128xf32>
    %dot_general3A_13 = arith.constant dense<0.000000e+00> : vector<10000x128xf32>
    %dot_general3A_14 = tpu.matmul %get3A_1, %get3A_12, %dot_general3A_13 {dimension_numbers = #tpu.dot_dimension_numbers<[1], [1], [0], [0], [0, 0, 1, 0], [], []>, transpose_lhs_hint = false} : vector<10000x128xf32>, vector<128x128xf32>, vector<10000x128xf32> -> vector<10000x128xf32>
    %get3A_15 = arith.constant 0 : index
    %get3A_16 = arith.constant 0 : index
    %get3A_17 = vector.load %arg4[%get3A_15, %get3A_16] : memref<1x128xf32, #tpu.memory_space<vmem>>, vector<1x128xf32>
    %add3A_18 = vector.broadcast %get3A_17 : vector<1x128xf32> to vector<10000x128xf32>
    %add3A_19 = arith.addf %dot_general3A_14, %add3A_18 : vector<10000x128xf32>
    %get3A_20 = arith.constant 0 : index
    %get3A_21 = arith.constant 0 : index
    %get3A_22 = vector.load %arg5[%get3A_20, %get3A_21] : memref<128x8xf32, #tpu.memory_space<vmem>>, vector<128x8xf32>
    %dot_general3A_23 = arith.constant dense<0.000000e+00> : vector<10000x8xf32>
    %dot_general3A_24 = tpu.matmul %add3A_9, %get3A_22, %dot_general3A_23 {dimension_numbers = #tpu.dot_dimension_numbers<[1], [0], [0], [1], [0, 0, 1, 1], [], []>, transpose_lhs_hint = false} : vector<10000x128xf32>, vector<128x8xf32>, vector<10000x8xf32> -> vector<10000x8xf32>
    %jit3A = arith.constant -6.000000e+01 : f32
    %jit3A_25 = arith.constant 6.000000e+01 : f32
    %max3A = vector.broadcast %jit3A : f32 to vector<10000x8xf32>
    %max3A_26 = arith.maximumf %max3A, %dot_general3A_24 : vector<10000x8xf32>
    %min3A = vector.broadcast %jit3A_25 : f32 to vector<10000x8xf32>
    %min3A_27 = arith.minimumf %min3A, %max3A_26 : vector<10000x8xf32>
    %exp3A = math.exp %min3A_27 : vector<10000x8xf32>
    %slice3A = vector.extract_strided_slice %exp3A {offsets = [0, 0], sizes = [10000, 1], strides = [1, 1]} : vector<10000x8xf32> to vector<10000x1xf32>
    %broadcast_in_dim3A = vector.shape_cast %slice3A : vector<10000x1xf32> to vector<10000x1xf32>
    %broadcast_in_dim3A_28 = vector.broadcast %broadcast_in_dim3A : vector<10000x1xf32> to vector<10000x32xf32>
    %slice3A_29 = vector.extract_strided_slice %exp3A {offsets = [0, 1], sizes = [10000, 1], strides = [1, 1]} : vector<10000x8xf32> to vector<10000x1xf32>
    %broadcast_in_dim3A_30 = vector.shape_cast %slice3A_29 : vector<10000x1xf32> to vector<10000x1xf32>
    %broadcast_in_dim3A_31 = vector.broadcast %broadcast_in_dim3A_30 : vector<10000x1xf32> to vector<10000x32xf32>
    %slice3A_32 = vector.extract_strided_slice %exp3A {offsets = [0, 2], sizes = [10000, 1], strides = [1, 1]} : vector<10000x8xf32> to vector<10000x1xf32>
    %broadcast_in_dim3A_33 = vector.shape_cast %slice3A_32 : vector<10000x1xf32> to vector<10000x1xf32>
    %broadcast_in_dim3A_34 = vector.broadcast %broadcast_in_dim3A_33 : vector<10000x1xf32> to vector<10000x32xf32>
    %slice3A_35 = vector.extract_strided_slice %exp3A {offsets = [0, 3], sizes = [10000, 1], strides = [1, 1]} : vector<10000x8xf32> to vector<10000x1xf32>
    %broadcast_in_dim3A_36 = vector.shape_cast %slice3A_35 : vector<10000x1xf32> to vector<10000x1xf32>
    %broadcast_in_dim3A_37 = vector.broadcast %broadcast_in_dim3A_36 : vector<10000x1xf32> to vector<10000x32xf32>
    %concatenate3A = tpu.concatenate %broadcast_in_dim3A_28, %broadcast_in_dim3A_31, %broadcast_in_dim3A_34, %broadcast_in_dim3A_37 in 1 : vector<10000x32xf32>, vector<10000x32xf32>, vector<10000x32xf32>, vector<10000x32xf32> -> vector<10000x128xf32>
    %mul3A = arith.mulf %add3A_9, %concatenate3A : vector<10000x128xf32>
    %broadcast_in_dim3A_38 = arith.constant 0.000000e+00 : f32
    %broadcast_in_dim3A_39 = vector.broadcast %broadcast_in_dim3A_38 : f32 to vector<10000x12xf32>
    %slice3A_40 = vector.extract_strided_slice %exp3A {offsets = [0, 0], sizes = [10000, 4], strides = [1, 1]} : vector<10000x8xf32> to vector<10000x4xf32>
    %concatenate3A_41 = tpu.concatenate %mul3A, %slice3A_40, %broadcast_in_dim3A_39 in 1 : vector<10000x128xf32>, vector<10000x4xf32>, vector<10000x12xf32> -> vector<10000x144xf32>
    %swap3A = arith.constant 0 : index
    %swap3A_42 = arith.constant 0 : index
    %swap3A_43 = vector.load %arg6[%swap3A, %swap3A_42] : memref<10000x144xf32, #tpu.memory_space<vmem>>, vector<10000x144xf32>
    tpu.vector_store %arg6[%swap3A, %swap3A_42], %concatenate3A_41 {strides = array<i32>} : memref<10000x144xf32, #tpu.memory_space<vmem>>, vector<10000x144xf32>,
    %swap3A_44 = arith.constant 0 : index
    %swap3A_45 = arith.constant 0 : index
    %swap3A_46 = vector.load %arg7[%swap3A_44, %swap3A_45] : memref<10000x128xf32, #tpu.memory_space<vmem>>, vector<10000x128xf32>
    tpu.vector_store %arg7[%swap3A_44, %swap3A_45], %add3A_19 {strides = array<i32>} : memref<10000x128xf32, #tpu.memory_space<vmem>>, vector<10000x128xf32>,
    return
  }
}

module attributes {stable_mosaic.version = 14 : i64} {
  func.func @_final_body(%arg0: i32, %arg1: memref<2x2000x144xf32, #tpu.memory_space<vmem>>, %arg2: memref<2000x128xf32, #tpu.memory_space<vmem>>, %arg3: memref<2x128xf32, #tpu.memory_space<vmem>>, %arg4: memref<1x2xf32, #tpu.memory_space<vmem>>, %arg5: memref<2000x128xf32, #tpu.memory_space<vmem>>) attributes {dimension_semantics = [#tpu.dimension_semantics<arbitrary>], iteration_bounds = array<i64: 5>, scalar_prefetch = 0 : i64, scratch_operands = 0 : i64, tpu.core_type = #tpu.core_type<tc>, window_params = [{transform_indices = @transform_0, window_bounds = array<i64: 2, 2000, 144>}, {transform_indices = @transform_1, window_bounds = array<i64: 2000, 128>}, {pipeline_mode = #tpu.pipeline_mode<synchronous>, transform_indices = @transform_2, window_bounds = array<i64: 2, 128>}, {pipeline_mode = #tpu.pipeline_mode<synchronous>, transform_indices = @transform_3, window_bounds = array<i64: 1, 2>}, {transform_indices = @transform_4, window_bounds = array<i64: 2000, 128>}]} {
    %get3A = arith.constant 0 : index
    %get3A_0 = arith.constant 0 : index
    %get3A_1 = arith.constant 0 : index
    %get3A_2 = vector.load %arg1[%get3A, %get3A_0, %get3A_1] : memref<2x2000x144xf32, #tpu.memory_space<vmem>>, vector<1x2000x144xf32>
    %get3A_3 = vector.shape_cast %get3A_2 : vector<1x2000x144xf32> to vector<2000x144xf32>
    %get3A_4 = arith.constant 1 : index
    %get3A_5 = arith.constant 0 : index
    %get3A_6 = arith.constant 0 : index
    %get3A_7 = vector.load %arg1[%get3A_4, %get3A_5, %get3A_6] : memref<2x2000x144xf32, #tpu.memory_space<vmem>>, vector<1x2000x144xf32>
    %get3A_8 = vector.shape_cast %get3A_7 : vector<1x2000x144xf32> to vector<2000x144xf32>
    %add3A = arith.addf %get3A_3, %get3A_8 : vector<2000x144xf32>
    %get3A_9 = arith.constant 0 : index
    %get3A_10 = arith.constant 0 : index
    %get3A_11 = vector.load %arg2[%get3A_9, %get3A_10] : memref<2000x128xf32, #tpu.memory_space<vmem>>, vector<2000x128xf32>
    %slice3A = vector.extract_strided_slice %add3A {offsets = [0, 128], sizes = [2000, 4], strides = [1, 1]} : vector<2000x144xf32> to vector<2000x4xf32>
    %slice3A_12 = vector.extract_strided_slice %slice3A {offsets = [0, 0], sizes = [2000, 1], strides = [1, 1]} : vector<2000x4xf32> to vector<2000x1xf32>
    %broadcast_in_dim3A = vector.shape_cast %slice3A_12 : vector<2000x1xf32> to vector<2000x1xf32>
    %broadcast_in_dim3A_13 = vector.broadcast %broadcast_in_dim3A : vector<2000x1xf32> to vector<2000x32xf32>
    %slice3A_14 = vector.extract_strided_slice %slice3A {offsets = [0, 1], sizes = [2000, 1], strides = [1, 1]} : vector<2000x4xf32> to vector<2000x1xf32>
    %broadcast_in_dim3A_15 = vector.shape_cast %slice3A_14 : vector<2000x1xf32> to vector<2000x1xf32>
    %broadcast_in_dim3A_16 = vector.broadcast %broadcast_in_dim3A_15 : vector<2000x1xf32> to vector<2000x32xf32>
    %slice3A_17 = vector.extract_strided_slice %slice3A {offsets = [0, 2], sizes = [2000, 1], strides = [1, 1]} : vector<2000x4xf32> to vector<2000x1xf32>
    %broadcast_in_dim3A_18 = vector.shape_cast %slice3A_17 : vector<2000x1xf32> to vector<2000x1xf32>
    %broadcast_in_dim3A_19 = vector.broadcast %broadcast_in_dim3A_18 : vector<2000x1xf32> to vector<2000x32xf32>
    %slice3A_20 = vector.extract_strided_slice %slice3A {offsets = [0, 3], sizes = [2000, 1], strides = [1, 1]} : vector<2000x4xf32> to vector<2000x1xf32>
    %broadcast_in_dim3A_21 = vector.shape_cast %slice3A_20 : vector<2000x1xf32> to vector<2000x1xf32>
    %broadcast_in_dim3A_22 = vector.broadcast %broadcast_in_dim3A_21 : vector<2000x1xf32> to vector<2000x32xf32>
    %concatenate3A = tpu.concatenate %broadcast_in_dim3A_13, %broadcast_in_dim3A_16, %broadcast_in_dim3A_19, %broadcast_in_dim3A_22 in 1 : vector<2000x32xf32>, vector<2000x32xf32>, vector<2000x32xf32>, vector<2000x32xf32> -> vector<2000x128xf32>
    %slice3A_23 = vector.extract_strided_slice %add3A {offsets = [0, 0], sizes = [2000, 128], strides = [1, 1]} : vector<2000x144xf32> to vector<2000x128xf32>
    %max3A = arith.constant 1.000000e-30 : f32
    %max3A_24 = vector.broadcast %max3A : f32 to vector<2000x128xf32>
    %max3A_25 = arith.maximumf %concatenate3A, %max3A_24 : vector<2000x128xf32>
    %div3A = arith.divf %slice3A_23, %max3A_25 : vector<2000x128xf32>
    %get3A_26 = arith.constant 0 : index
    %get3A_27 = arith.constant 0 : index
    %get3A_28 = vector.load %arg3[%get3A_26, %get3A_27] : memref<2x128xf32, #tpu.memory_space<vmem>>, vector<2x128xf32>
    %dot_general3A = arith.constant dense<0.000000e+00> : vector<2000x2xf32>
    %dot_general3A_29 = tpu.matmul %get3A_11, %get3A_28, %dot_general3A {dimension_numbers = #tpu.dot_dimension_numbers<[1], [1], [0], [0], [0, 0, 1, 0], [], []>, transpose_lhs_hint = false} : vector<2000x128xf32>, vector<2x128xf32>, vector<2000x2xf32> -> vector<2000x2xf32>
    %get3A_30 = arith.constant 0 : index
    %get3A_31 = arith.constant 0 : index
    %get3A_32 = vector.load %arg4[%get3A_30, %get3A_31] : memref<1x2xf32, #tpu.memory_space<vmem>>, vector<1x2xf32>
    %add3A_33 = vector.broadcast %get3A_32 : vector<1x2xf32> to vector<2000x2xf32>
    %add3A_34 = arith.addf %dot_general3A_29, %add3A_33 : vector<2000x2xf32>
    %reduce_max3A = arith.constant dense<0xFF800000> : vector<2000xf32>
    %reduce_max3A_35 = vector.multi_reduction <maximumf>, %add3A_34, %reduce_max3A [1] : vector<2000x2xf32> to vector<2000xf32>
    %broadcast_in_dim3A_36 = vector.shape_cast %reduce_max3A_35 : vector<2000xf32> to vector<2000x1xf32>
    %sub3A = vector.broadcast %broadcast_in_dim3A_36 : vector<2000x1xf32> to vector<2000x2xf32>
    %sub3A_37 = arith.subf %add3A_34, %sub3A : vector<2000x2xf32>
    %exp3A = math.exp %sub3A_37 : vector<2000x2xf32>
    %reduce_sum3A = arith.constant dense<0.000000e+00> : vector<2000xf32>
    %reduce_sum3A_38 = vector.multi_reduction <add>, %exp3A, %reduce_sum3A [1] : vector<2000x2xf32> to vector<2000xf32>
    %broadcast_in_dim3A_39 = vector.shape_cast %reduce_sum3A_38 : vector<2000xf32> to vector<2000x1xf32>
    %div3A_40 = vector.broadcast %broadcast_in_dim3A_39 : vector<2000x1xf32> to vector<2000x2xf32>
    %div3A_41 = arith.divf %exp3A, %div3A_40 : vector<2000x2xf32>
    %slice3A_42 = vector.extract_strided_slice %div3A_41 {offsets = [0, 0], sizes = [2000, 1], strides = [1, 1]} : vector<2000x2xf32> to vector<2000x1xf32>
    %mul3A = vector.broadcast %slice3A_42 : vector<2000x1xf32> to vector<2000x128xf32>
    %mul3A_43 = arith.mulf %mul3A, %div3A : vector<2000x128xf32>
    %slice3A_44 = vector.extract_strided_slice %div3A_41 {offsets = [0, 1], sizes = [2000, 1], strides = [1, 1]} : vector<2000x2xf32> to vector<2000x1xf32>
    %mul3A_45 = vector.broadcast %slice3A_44 : vector<2000x1xf32> to vector<2000x128xf32>
    %mul3A_46 = arith.mulf %mul3A_45, %get3A_11 : vector<2000x128xf32>
    %add3A_47 = arith.addf %mul3A_43, %mul3A_46 : vector<2000x128xf32>
    %max3A_48 = arith.constant 0.000000e+00 : f32
    %max3A_49 = vector.broadcast %max3A_48 : f32 to vector<2000x128xf32>
    %max3A_50 = arith.maximumf %add3A_47, %max3A_49 : vector<2000x128xf32>
    %swap3A = arith.constant 0 : index
    %swap3A_51 = arith.constant 0 : index
    %swap3A_52 = vector.load %arg5[%swap3A, %swap3A_51] : memref<2000x128xf32, #tpu.memory_space<vmem>>, vector<2000x128xf32>
    tpu.vector_store %arg5[%swap3A, %swap3A_51], %max3A_50 {strides = array<i32>} : memref<2000x128xf32, #tpu.memory_space<vmem>>, vector<2000x128xf32>,
    return
  }
  func.func @transform_0(%arg0: i32) -> (i32, i32, i32) {
    %c0_i32 = arith.constant 0 : i32
    %c0_i32_0 = arith.constant 0 : i32
    %c0_i32_1 = arith.constant 0 : i32
    return %c0_i32, %arg0, %c0_i32_0 : i32, i32, i32
  }
  func.func @transform_1(%arg0: i32) -> (i32, i32) {
    %c0_i32 = arith.constant 0 : i32
    %c0_i32_0 = arith.constant 0 : i32
    return %arg0, %c0_i32 : i32, i32
  }
  func.func @transform_2(%arg0: i32) -> (i32, i32) {
    %c0_i32 = arith.constant 0 : i32
    %c0_i32_0 = arith.constant 0 : i32
    %c0_i32_1 = arith.constant 0 : i32
    return %c0_i32, %c0_i32_0 : i32, i32
  }
  func.func @transform_3(%arg0: i32) -> (i32, i32) {
    %c0_i32 = arith.constant 0 : i32
    %c0_i32_0 = arith.constant 0 : i32
    %c0_i32_1 = arith.constant 0 : i32
    return %c0_i32, %c0_i32_0 : i32, i32
  }
  func.func @transform_4(%arg0: i32) -> (i32, i32) {
    %c0_i32 = arith.constant 0 : i32
    %c0_i32_0 = arith.constant 0 : i32
    return %arg0, %c0_i32 : i32, i32
  }
}

</mosaic_0001>

<sc_bundles>
// kernel: kernel.5.cloned.1.call-start
scs
__scs_entry_jumppad:
0x0: {  	(pc) =	sbr.rel $0x88, $3  }
0x1: {  	(tag) =	ssettag $0x0;
	lr =	simm.s32 $0x1  }
0x2: {  	[smem:$0x3F97] =	sst lr;
	_ =	strace $0xD0000000  }
0x3: {  	_ = 	snop  }
0x4: {  	_ = 	snop  }
0x5: {  	_ = 	snop  }
0x6: {  	_ = 	snop  }
0x7: {  	_ = 	snop  }
__scs_overlays_trampoline_lowered:
0x8: {  	[smem:$0x3FA6] =	sst s0  }
0x9: {  	[smem:$0x3FA7] =	sst s1  }
0xa: {  	[smem:$0x3FA8] =	sst s2  }
0xb: {  	[smem:$0x3FA9] =	sst s3  }
0xc: {  	[smem:$0x3FAA] =	sst s4  }
0xd: {  	[smem:$0x3FAB] =	sst s5  }
0xe: {  	[smem:$0x3FAC] =	sst s6  }
0xf: {  	[smem:$0x3FAD] =	sst s7  }
0x10: {  	[smem:$0x3FAE] =	sst s8  }
0x11: {  	[smem:$0x3FAF] =	sst s9;
	s0 =	simm.s32 @!p0 $0x0  }
0x12: {  	s1 =	sld [smem:$0x3F95];
	s0 =	simm.s32 @p0 $0x1  }
0x13: {  	[smem:$0x3FB0] =	sst s0;
	s0 =	simm.s32 @!p1 $0x0  }
0x14: {  	s2 =	sld [smem:$0x3F94];
	s0 =	simm.s32 @p1 $0x1  }
0x15: {  	[smem:$0x3FB1] =	sst s0;
	s0 =	simm.s32 @!p2 $0x0  }
0x16: {  	s3 =	sld [smem:$0x3FDB];
	s0 =	simm.s32 @p2 $0x1  }
0x17: {  	s4 =	simm.s32 $0x1BF5;
	[smem:$0x3FB3] =	sst s0  }
0x18: {  	s0 =	sld [smem:$0x3F96];
	_ =	swait.ge [sflag:s4], $0x0  }
0x19: {  	s7 =	sld [smem:$0x3F97]  }
0x1a: {  	s8 =	sadd.s32 $0xFFFFE003, lr  }
0x1b: {  	s9 =	sadd.s32 $0xFFFFFEF7, lr;
	s5 =	simm.s32 $0xFFFFFFFF;
	p2 =	slt.u32 s8, $0xFFFFF086  }
0x1c: {  	p1 =	slt.u32 s9, $0xF7A;
	s5 =	simm.s32 @!p2 $0x0  }
0x1d: {  	s5 =	simm.s32 @p1 $0x1;
	p0 =	seq.s32 s7, s2  }
0x1e: {  	s7 =	smul.u32 @!p0 $0xF7A, s2;
	p2 =	seq.s32 @!p0 s5, $0x0  }
0x1f: {  	s9 =	smul.u32 $0xF7A, s1;
	s8 =	simm.s32 @!p0 $0x1BF5;
	p2 =	por !p2, p0  }
0x20: {  	[sflag:s8] =	ssyncset.s32 @!p0 $0xFFFFF086;
	s6 =	sadd.s32 @!p0 s3, s7;
	s7 =	simm.s32 @!p0 $0x108  }
0x21: {  	s3 =	sadd.s32 s3, s9;
	s6 =	sadd.s32 @!p0 $0x88, s6;
	s7 =	simm.s32 @p2 $0x1082  }
0x22: {  	[simem:s7], [sflag:s8] =	dma.local @!p0 [hbm:s6], $0xF7A  }
0x23: {  	s9 =	sor.u32 $0xD0000000, s2;
	s6 =	simm.s32 $0x108;
	_ =	swait.ge @!p0 [sflag:s8], $0x0  }
0x24: {  	s3 =	sadd.s32 $0x88, s3;
	s6 =	simm.s32 @!p1 $0x1082;
	[sflag:s4] =	ssyncset.s32 $0xFFFFF086  }
0x25: {  	[simem:s6], [sflag:s4] =	dma.local [hbm:s3], $0xF7A  }
0x26: {  	[smem:$0x3F97] =	sst s1;
	(tag) =	ssettag s2;
	_ =	strace s9  }
0x27: {  	s1 =	sld [smem:$0x3FA7]  }
0x28: {  	s2 =	sld [smem:$0x3FA8]  }
0x29: {  	s4 =	sld [smem:$0x3FAA]  }
0x2a: {  	p0 =	seq.s32 s5, $0x0;
	s5 =	sld [smem:$0x3FAB]  }
0x2b: {  	s6 =	sld [smem:$0x3FAC]  }
0x2c: {  	s7 =	sld [smem:$0x3FAD]  }
0x2d: {  	s3 =	simm.s32 $0x108;
	s8 =	sld [smem:$0x3FAE]  }
0x2e: {  	s3 =	simm.s32 @!p0 $0x1082;
	s9 =	sld [smem:$0x3FAF]  }
0x2f: {  	lr =	sadd.s32 s0, s3;
	s0 =	sld [smem:$0x3FA6]  }
0x30: {  	s3 =	sld [smem:$0x3FA9]  }
0x31: {  	[smem:$0x3FB2] =	sst s10  }
0x32: {  	s10 =	sld [smem:$0x3FB0];
	_ =	sdelay $0x3  }
0x33: {  	p0 =	seq.s32 s10, $0x1;
	s10 =	sld [smem:$0x3FB2];
	_ =	sdelay $0x3  }
0x34: {  	[smem:$0x3FB2] =	sst s10  }
0x35: {  	s10 =	sld [smem:$0x3FB1];
	_ =	sdelay $0x3  }
0x36: {  	p1 =	seq.s32 s10, $0x1;
	s10 =	sld [smem:$0x3FB2];
	_ =	sdelay $0x3  }
0x37: {  	[smem:$0x3FB2] =	sst s10  }
0x38: {  	s10 =	sld [smem:$0x3FB3]  }
0x39: {  	_ = 	snop;
	(pc) =	sbr.ind lr, $3  }
0x3a: {  	_ = 	snop  }
0x3b: {  	_ = 	snop  }
0x3c: {  	p2 =	seq.s32 s10, $0x1;
	s10 =	sld [smem:$0x3FB2]  }
0x3d: {  	_ =	shalt  }
0x3e: {  	_ =	shalt  }
0x3f: {  	_ =	shalt  }
0x40: {  	_ =	shalt  }
0x41: {  	_ =	shalt  }
0x42: {  	_ =	shalt  }
0x43: {  	_ =	shalt  }
0x44: {  	_ =	shalt  }
0x45: {  	_ =	shalt  }
0x46: {  	_ =	shalt  }
0x47: {  	_ =	shalt  }
0x48: {  	_ =	shalt  }
0x49: {  	_ =	shalt  }
0x4a: {  	_ =	shalt  }
0x4b: {  	_ =	shalt  }
0x4c: {  	_ =	shalt  }
0x4d: {  	_ =	shalt  }
0x4e: {  	_ =	shalt  }
0x4f: {  	_ =	shalt  }
0x50: {  	_ =	shalt  }
0x51: {  	_ =	shalt  }
0x52: {  	_ =	shalt  }
0x53: {  	_ =	shalt  }
0x54: {  	_ =	shalt  }
0x55: {  	_ =	shalt  }
0x56: {  	_ =	shalt  }
0x57: {  	_ =	shalt  }
0x58: {  	_ =	shalt  }
0x59: {  	_ =	shalt  }
0x5a: {  	_ =	shalt  }
0x5b: {  	_ =	shalt  }
0x5c: {  	_ =	shalt  }
0x5d: {  	_ =	shalt  }
0x5e: {  	_ =	shalt  }
0x5f: {  	_ =	shalt  }
0x60: {  	_ =	shalt  }
0x61: {  	_ =	shalt  }
0x62: {  	_ =	shalt  }
0x63: {  	_ =	shalt  }
0x64: {  	_ =	shalt  }
0x65: {  	_ =	shalt  }
0x66: {  	_ =	shalt  }
0x67: {  	_ =	shalt  }
0x68: {  	_ =	shalt  }
0x69: {  	_ =	shalt  }
0x6a: {  	_ =	shalt  }
0x6b: {  	_ =	shalt  }
0x6c: {  	_ =	shalt  }
0x6d: {  	_ =	shalt  }
0x6e: {  	_ =	shalt  }
0x6f: {  	_ =	shalt  }
0x70: {  	_ =	shalt  }
0x71: {  	_ =	shalt  }
0x72: {  	_ =	shalt  }
0x73: {  	_ =	shalt  }
0x74: {  	_ =	shalt  }
0x75: {  	_ =	shalt  }
0x76: {  	_ =	shalt  }
0x77: {  	_ =	shalt  }
0x78: {  	_ =	shalt  }
0x79: {  	_ =	shalt  }
0x7a: {  	_ =	shalt  }
0x7b: {  	_ =	shalt  }
0x7c: {  	_ =	shalt  }
0x7d: {  	_ =	shalt  }
0x7e: {  	_ =	shalt  }
0x7f: {  	_ =	shalt  }
0x80: {  	_ =	shalt  }
0x81: {  	_ =	shalt  }
0x82: {  	_ =	shalt  }
0x83: {  	_ =	shalt  }
0x84: {  	_ =	shalt  }
0x85: {  	_ =	shalt  }
0x86: {  	_ =	shalt  }
0x87: {  	_ =	shalt  }
.Lfunc_end0:
.L_simem_size_0:
called_computation_lowered:
.L_overlay_start_0:
0x88: {  	s2 =	sld [smem:$0x3FD9]  }
0x89: {  	s3 =	sld [smem:$0x3FFE];
	_ =	sdelay $0x1  }
0x8a: {  	s1 =	srdreg.scid  }
0x8b: {  	s0 =	sand.u32 $0x1, s1  }
0x8c: {  	s17 =	sshll.u32 s0, $0xA;
	s2 =	sadd.s32 s3, s2  }
0x8d: {  	s2 =	sadd.s32 s2, s17  }
0x8e: {  	[smem:$0x3FBE] =	sst s2  }
0x8f: {  	_ = 	snop  }
0x90: {  	s2 =	sld [smem:$0x3FD0];
	(tm) =	ssettm $0x1  }
0x91: {  	s18 =	sld [smem:$0x3FFB];
	_ =	sdelay $0x3  }
0x92: {  	_ =	strace s18  }
0x93: {  	s3 =	sld [smem:$0x3FFC];
	_ =	sdelay $0x3  }
0x94: {  	_ =	strace s3  }
0x95: {  	s3 =	sld [smem:$0x3FFD];
	_ =	sdelay $0x3  }
0x96: {  	_ =	strace s3  }
0x97: {  	_ =	strace $0x8FFFFFFF  }
0x98: {  	s19 =	sld [smem:$0x3FDB];
	_ =	sdelay $0x1  }
0x99: {  	s4 =	simm.s32 $_scs_section_size  }
0x9a: {  	s5 =	simm.s32 $_size__tile_overlayer_lowered;
	s6 =	simm.s32 $_tile_overlayer_lowered  }
0x9b: {  	s22 =	simm.s32 $0x1BFF;
	s21 =	sshll.u32 s6, $0x1;
	s3 =	sadd.s32 s4, s19  }
0x9c: {  	s7 =	simm.s32 $0x0;
	s20 =	sshll.u32 s5, $0x1;
	s5 =	sadd.s32 s21, s3  }
0x9d: {  	[timem:s7], [sflag:s22] =	dma.local [hbm:s5], s20  }
0x9e: {  	_ =	swait.ge [sflag:s22], s20  }
0x9f: {  	s4 =	ssub.s32 $0x0, s20;
	[sflag:s22] =	ssyncset.done $0x0  }
0xa0: {  	[sflag:s22] =	ssyncadd.s32 s4;
	_ =	sdelay $0x1  }
0xa1: {  	s23 =	simm.s32 $0x1B8B  }
0xa2: {  	_ =	swait.ge [sflag:s23], $0x1  }
0xa3: {  	[sflag:s23] =	ssyncset.done $0x0  }
0xa4: {  	s25 =	simm.s32 $0x1B8E;
	s24 =	sld [smem:$0x3FFE];
	[sflag:s23] =	ssyncadd.s32 $0xFFFFFFFF  }
0xa5: {  	s26 =	simm.s32 $execute0_lowered;
	[smem:$0x3FD2] =	sst s25  }
0xa6: {  	s5 =	sshll.u32 s26, $0x1;
	_ =	strace $0x80000046;
	[dreg:$0x1] =	wrdreg $0xFFFFFFFF  }
0xa7: {  	s28 =	simm.s32 $_size_execute0_lowered;
	s3 =	sadd.s32 s3, s5;
	[dreg:$0x0] =	wrdreg $0x0  }
0xa8: {  	s5 =	sshll.u32 s28, $0x1;
	[dreg:$0x2] =	wrdreg s3  }
0xa9: {  	[dreg:$0x3] =	wrdreg s5  }
0xaa: {  	[dreg:$0x4] =	wrdreg $0xC0  }
0xab: {  	_ =	task [dreg:s7], $0x5FFFF  }
0xac: {  	[dreg:$0x1] =	wrdreg $0xFFFFFFFF  }
0xad: {  	[dreg:$0x0] =	wrdreg $0x60  }
0xae: {  	[dreg:$0x2] =	wrdreg s24  }
0xaf: {  	[dreg:$0x3] =	wrdreg s2  }
0xb0: {  	[dreg:$0x4] =	wrdreg $0x81600  }
0xb1: {  	[dreg:$0x5] =	wrdreg $0x9  }
0xb2: {  	_ =	task.clear_ibuf [dreg:s7], $0x6FFFF;
	_ =	strace $0x90000046  }
0xb3: {  	s29 =	simm.s32 $0x9;
	_ =	strace $0x80000048  }
0xb4: {  	_ =	swait.ge [sflag:s29], $0x1  }
0xb5: {  	[sflag:s29] =	ssyncadd.s32 $0xFFFFFFFF  }
0xb6: {  	_ =	strace $0x90000048  }
0xb7: {  	_ =	sfence  }
0xb8: {  	s30 =	sld [smem:$0x0];
	_ =	sdelay $0x2  }
0xb9: {  	s31 =	sshll.u32 s1, $0xD;
	s1 =	sshrl.u32 s1, $0x2  }
0xba: {  	s3 =	sand.u32 $0x4000, s31;
	s1 =	sadd.s32 s1, s30  }
0xbb: {  	s0 =	sor.u32 s3, s0;
	s1 =	sshll.u32 s1, $0x11  }
0xbc: {  	s0 =	sor.u32 s1, s0  }
0xbd: {  	s0 =	sadd.s32 $0x8F2B, s0  }
0xbe: {  	[sflag:s0] =	ssyncadd.remote.s32 $0x1  }
0xbf: {  	_ =	sfence.sel $0xFFFF  }
0xc0: {  	[dreg:$0x0] =	wrdreg $0xFFFFFFFF;
	(pc) =	sbr.abs _section_cstart, $3  }
0xc1: {  	[dreg:$0x1] =	wrdreg $0xFFFFFFFF  }
0xc2: {  	_ =	task.clear_ibuf [dreg:s7], $0x2FFFF;
	_ =	strace $0x9FFFFFFF  }
0xc3: {  	(tm) =	ssettm $0x7FFFFFFF  }
tec
execute0_lowered:
.L_overlay_start_1:
0x0: {  	(tag) =	ssettag $0x1  }
0x1: {  	s0 =	rddreg [dreg:$0x0]  }
0x2: {  	s10 =	rddreg [dreg:$0x1]  }
0x3: {  	s1 =	rddreg [dreg:$0x2]  }
0x4: {  	s3 =	simm.s32 $0x0;
	s2 =	srdreg.scid;
	s25 =	stileid.u32  }
0x5: {  	s21 =	simm.s32 $0x2760;
	s22 =	simm.s32 $0x2;
	s23 =	simm.s32 $0x13B0  }
0x6: {  	s24 =	simm.s32 $0x50;
	s28 =	simm.s32 $0x5460;
	s30 =	simm.s32 $0x1D10  }
0x7: {  	[smem:$0x7FF] =	sst s3;
	s5 =	sand.u32 $0x1, s2;
	s13 =	smul.u32 $0x16800, s25  }
0x8: {  	s7 =	sshll.u32 s25, $0x1;
	s9 =	sadd.s32 $0xC00, s0;
	s12 =	smul.u32 $0x5A000, s25  }
0x9: {  	s4 =	sadd.s32 $0xAA00, s0;
	s6 =	smul.u32 $0x168000, s5;
	s7 =	sor.u32 s5, s7  }
0xa: {  	_ =	strace $0x80000047;
	s5 =	ssub.s32 $0x2, s5;
	s8 =	smul.u32 $0x2710, s7  }
0xb: {  	s11 =	sshrl.u32 s5, $0x1;
	s7 =	smul.u32 $0x4E2, s7;
	s12 =	sshrl.u32 s12, $0x2  }
0xc: {  	s31 =	sadd.s32 s13, s1;
	s6 =	sadd.s32 s13, s6;
	s14 =	ssub.s32 s5, s11  }
0xd: {  	s12 =	sadd.s32 s12, s1;
	s25 =	sshrl.u32 s31, $0x3;
	s6 =	sshrl.u32 s6, $0x3  }
0xe: {  	s8 =	sshrl.u32 s8, $0x3;
	s26 =	sadd.s32 s9, s7;
	s13 =	smax.u32 s14, $0x1  }
0xf: {  	s14 =	sadd.s32 $0x2D00, s12;
	s16 =	sadd.s32 $0x8700, s12;
	s17 =	sadd.s32 $0xB400, s12  }
0x10: {  	s18 =	sadd.s32 $0xE100, s12;
	s19 =	sadd.s32 $0x10E00, s12;
	s20 =	sadd.s32 $0x13B00, s12  }
0x11: {  	s0 =	sadd.s32 s6, s0;
	[dreg:$0x4] =	wrdreg s26;
	s29 =	sadd.s32 $0x276, s8  }
0x12: {  	s6 =	sadd.s32 s10, s7;
	s15 =	sadd.s32 $0x3AC, s8;
	s26 =	simm.s32 $0x1  }
0x13: {  	s7 =	sadd.s32 s9, s29;
	s8 =	sadd.s32 s10, s29;
	s9 =	sadd.s32 s9, s15  }
0x14: {  	v0 =	vimm.f32 $0.0e+00;
	s10 =	sadd.s32 s10, s15;
	s11 =	sadd.s32 $0x36A00, s0;
	s15 =	sadd.s32 $0x5A00, s12  }
.LBB2_1:
0x15: {  	s31 =	simm.s32 $0x0;
	s0 =	simm.s32 $0x240  }
.LBB2_2:
0x16: {  	p0 =	sne.s32 s0, $0xB1C0;
	[tilespmem:s31+$0x27E0] =	vst v0  }
0x17: {  	[tilespmem:s31+$0x2760] =	vst v0  }
0x18: {  	[tilespmem:s31+$0x2770] =	vst v0  }
0x19: {  	[tilespmem:s31+$0x2780] =	vst v0  }
.Ltmp0:
0x1a: {  	[tilespmem:s31+$0x2790] =	vst v0;
	(pc) =	sbr.rel @p0 .LBB2_2-.Ltmp0, $4  }
0x1b: {  	[tilespmem:s31+$0x27A0] =	vst v0  }
0x1c: {  	[tilespmem:s31+$0x27B0] =	vst v0  }
0x1d: {  	[tilespmem:s31+$0x27C0] =	vst v0  }
0x1e: {  	[tilespmem:s31+$0x27D0] =	vst v0;
	s31 =	sshra.s32 s0, $0x2;
	s0 =	sadd.s32 $0x240, s0  }
0x1f: {  	[tilespmem:s31+$0x27E0] =	vst v0  }
0x20: {  	[tilespmem:s31+$0x2760] =	vst v0  }
0x21: {  	[tilespmem:s31+$0x2770] =	vst v0  }
0x22: {  	[tilespmem:s31+$0x2780] =	vst v0  }
0x23: {  	[tilespmem:s31+$0x2790] =	vst v0  }
0x24: {  	[tilespmem:s31+$0x27A0] =	vst v0  }
0x25: {  	[tilespmem:s31+$0x27B0] =	vst v0  }
0x26: {  	[tilespmem:s31+$0x27C0] =	vst v0  }
0x27: {  	[tilespmem:s31+$0x27D0] =	vst v0  }
0x28: {  	[spmem:s12] =	stream.linear.scatter [tilespmem:s21], [sflag:$0x2], $0x2D00, $0x38;
	[tilespmem:$0x1E960] =	vst v63  }
0x29: {  	_ =	swait.ge [sflag:s22], $0x2D00  }
0x2a: {  	[sflag:s22] =	ssyncset.done $0x0  }
0x2b: {  	[sflag:s22] =	ssyncadd.s32 $0xFFFFD300  }
0x2c: {  	[spmem:s14] =	stream.linear.scatter [tilespmem:s21], [sflag:$0x2], $0x2D00, $0x38;
	[tilespmem:$0x1E960] =	vst v63  }
0x2d: {  	_ =	swait.ge [sflag:s22], $0x2D00  }
0x2e: {  	[sflag:s22] =	ssyncset.done $0x0  }
0x2f: {  	[sflag:s22] =	ssyncadd.s32 $0xFFFFD300  }
0x30: {  	[spmem:s15] =	stream.linear.scatter [tilespmem:s21], [sflag:$0x2], $0x2D00, $0x38;
	[tilespmem:$0x1E960] =	vst v63  }
0x31: {  	_ =	swait.ge [sflag:s22], $0x2D00  }
0x32: {  	[sflag:s22] =	ssyncset.done $0x0  }
0x33: {  	[sflag:s22] =	ssyncadd.s32 $0xFFFFD300  }
0x34: {  	[spmem:s16] =	stream.linear.scatter [tilespmem:s21], [sflag:$0x2], $0x2D00, $0x38;
	[tilespmem:$0x1E960] =	vst v63  }
0x35: {  	_ =	swait.ge [sflag:s22], $0x2D00  }
0x36: {  	[sflag:s22] =	ssyncset.done $0x0  }
0x37: {  	[sflag:s22] =	ssyncadd.s32 $0xFFFFD300  }
0x38: {  	[spmem:s17] =	stream.linear.scatter [tilespmem:s21], [sflag:$0x2], $0x2D00, $0x38;
	[tilespmem:$0x1E960] =	vst v63  }
0x39: {  	_ =	swait.ge [sflag:s22], $0x2D00  }
0x3a: {  	[sflag:s22] =	ssyncset.done $0x0  }
0x3b: {  	[sflag:s22] =	ssyncadd.s32 $0xFFFFD300  }
0x3c: {  	[spmem:s18] =	stream.linear.scatter [tilespmem:s21], [sflag:$0x2], $0x2D00, $0x38;
	[tilespmem:$0x1E960] =	vst v63  }
0x3d: {  	_ =	swait.ge [sflag:s22], $0x2D00  }
0x3e: {  	[sflag:s22] =	ssyncset.done $0x0  }
0x3f: {  	[sflag:s22] =	ssyncadd.s32 $0xFFFFD300  }
0x40: {  	[spmem:s19] =	stream.linear.scatter [tilespmem:s21], [sflag:$0x2], $0x2D00, $0x38;
	[tilespmem:$0x1E960] =	vst v63  }
0x41: {  	_ =	swait.ge [sflag:s22], $0x2D00  }
0x42: {  	[sflag:s22] =	ssyncset.done $0x0  }
0x43: {  	[sflag:s22] =	ssyncadd.s32 $0xFFFFD300  }
0x44: {  	[spmem:s20] =	stream.linear.scatter [tilespmem:s21], [sflag:$0x2], $0x2D00, $0x38;
	[tilespmem:$0x1E960] =	vst v63  }
0x45: {  	_ =	swait.ge [sflag:s22], $0x2D00  }
0x46: {  	[sflag:s22] =	ssyncset.done $0x0  }
0x47: {  	[sflag:s22] =	ssyncadd.s32 $0xFFFFD300  }
0x48: {  	[bflag:$0x0] =	sbarrier.arrive $0xFFFF  }
0x49: {  	s0 =	simm.s32 $0x0;
	s2 =	rddreg [dreg:$0x4]  }
0x4a: {  	[tilespmem:s0], [sflag:$0x2] =	stream.linear.gather [hbm4b:s2+s0], $0x13B0, $0x38;
	[tilespmem:$0x1E960] =	vst v63  }
0x4b: {  	_ =	swait.ge [sflag:s22], $0x13B0  }
0x4c: {  	[sflag:s22] =	ssyncset.done $0x0  }
0x4d: {  	[sflag:s22] =	ssyncadd.s32 $0xFFFFEC50  }
0x4e: {  	[tilespmem:s23], [sflag:$0x2] =	stream.linear.gather [hbm4b:s6+s0], $0x13B0, $0x38;
	[tilespmem:$0x1E960] =	vst v63  }
0x4f: {  	_ =	swait.ge [sflag:s22], $0x13B0  }
0x50: {  	[sflag:s22] =	ssyncset.done $0x0  }
0x51: {  	[sflag:s22] =	ssyncadd.s32 $0xFFFFEC50  }
0x52: {  	[tilespmem:s21], [sflag:$0x1] =	stream.indirect.gather [hbm4b:s4+s24], $0x90, s0, s24, $0xb8;
	[tilespmem:$0x1E960] =	vst v63  }
0x53: {  	_ =	swait.ge [sflag:s26], $0x2D00  }
0x54: {  	[sflag:s26] =	ssyncset.done $0x0  }
0x55: {  	s29 =	simm.s32 $0x50;
	[sflag:s26] =	ssyncadd.s32 $0xFFFFD300  }
0x56: {  	[tilespmem:s28], [sflag:$0x1] =	stream.indirect.gather [hbm4b:s4+s24], $0x90, s29, s24, $0xb8;
	[tilespmem:$0x1E960] =	vst v63  }
0x57: {  	s2 =	simm.s32 $0x13B0  }
0x58: {  	[spmem:s1] =	stream.indirect.scatter.add.f32 [tilespmem:s21], [sflag:$0x2], $0x90, s2, s24, $0xb8;
	[tilespmem:$0x1E960] =	vst v63  }
0x59: {  	_ =	swait.ge [sflag:s22], $0x2D00  }
0x5a: {  	[sflag:s22] =	ssyncset.done $0x0  }
0x5b: {  	[sflag:s22] =	ssyncadd.s32 $0xFFFFD300  }
0x5c: {  	_ =	swait.ge [sflag:s26], $0x2D00  }
0x5d: {  	[sflag:s26] =	ssyncset.done $0x0  }
0x5e: {  	s5 =	simm.s32 $0xA0;
	[sflag:s26] =	ssyncadd.s32 $0xFFFFD300  }
0x5f: {  	[tilespmem:s21], [sflag:$0x1] =	stream.indirect.gather [hbm4b:s4+s24], $0x90, s5, s24, $0xb8;
	[tilespmem:$0x1E960] =	vst v63  }
0x60: {  	s29 =	simm.s32 $0x1400  }
0x61: {  	[spmem:s1] =	stream.indirect.scatter.add.f32 [tilespmem:s28], [sflag:$0x2], $0x90, s29, s24, $0xb8;
	[tilespmem:$0x1E960] =	vst v63  }
0x62: {  	_ =	swait.ge [sflag:s22], $0x2D00  }
0x63: {  	[sflag:s22] =	ssyncset.done $0x0  }
0x64: {  	[sflag:s22] =	ssyncadd.s32 $0xFFFFD300  }
0x65: {  	_ =	swait.ge [sflag:s26], $0x2D00  }
0x66: {  	s31 =	simm.s32 $0xA0;
	s0 =	simm.s32 $0x500;
	[sflag:s26] =	ssyncset.done $0x0  }
.LBB2_4:
0x67: {  	s29 =	sadd.s32 $0x50, s31  }
0x68: {  	[sflag:s26] =	ssyncadd.s32 $0xFFFFD300;
	s2 =	smov.u32 s0;
	s5 =	sadd.s32 $0x280, s0  }
0x69: {  	[tilespmem:s28], [sflag:$0x1] =	stream.indirect.gather [hbm4b:s4+s24], $0x90, s29, s24, $0xb8;
	[tilespmem:$0x1E960] =	vst v63  }
0x6a: {  	p0 =	sne.s32 s0, $0x4B00;
	s0 =	sadd.s32 $0x13B0, s31  }
0x6b: {  	[spmem:s1] =	stream.indirect.scatter.add.f32 [tilespmem:s21], [sflag:$0x2], $0x90, s0, s24, $0xb8;
	[tilespmem:$0x1E960] =	vst v63  }
0x6c: {  	_ =	swait.ge [sflag:s22], $0x2D00  }
0x6d: {  	[sflag:s22] =	ssyncset.done $0x0  }
0x6e: {  	[sflag:s22] =	ssyncadd.s32 $0xFFFFD300  }
0x6f: {  	_ =	swait.ge [sflag:s26], $0x2D00  }
0x70: {  	[sflag:s26] =	ssyncset.done $0x0  }
0x71: {  	s0 =	sadd.s32 $0xA0, s31;
	[sflag:s26] =	ssyncadd.s32 $0xFFFFD300  }
0x72: {  	[tilespmem:s21], [sflag:$0x1] =	stream.indirect.gather [hbm4b:s4+s24], $0x90, s0, s24, $0xb8;
	[tilespmem:$0x1E960] =	vst v63  }
0x73: {  	s0 =	sadd.s32 $0x1400, s31  }
0x74: {  	[spmem:s1] =	stream.indirect.scatter.add.f32 [tilespmem:s28], [sflag:$0x2], $0x90, s0, s24, $0xb8;
	[tilespmem:$0x1E960] =	vst v63  }
.Ltmp1:
0x75: {  	_ =	swait.ge [sflag:s22], $0x2D00;
	(pc) =	sbr.rel @p0 .LBB2_4-.Ltmp1, $4  }
0x76: {  	[sflag:s22] =	ssyncset.done $0x0  }
0x77: {  	[sflag:s22] =	ssyncadd.s32 $0xFFFFD300  }
0x78: {  	_ =	swait.ge [sflag:s26], $0x2D00  }
0x79: {  	s31 =	sshra.s32 s2, $0x2;
	s0 =	smov.u32 s5;
	[sflag:s26] =	ssyncset.done $0x0  }
0x7a: {  	s0 =	sadd.s32 $0x50, s31;
	[sflag:s26] =	ssyncadd.s32 $0xFFFFD300  }
0x7b: {  	[tilespmem:s28], [sflag:$0x1] =	stream.indirect.gather [hbm4b:s4+s24], $0x90, s0, s24, $0xb8;
	[tilespmem:$0x1E960] =	vst v63  }
0x7c: {  	s2 =	sadd.s32 $0x13B0, s31  }
0x7d: {  	[spmem:s1] =	stream.indirect.scatter.add.f32 [tilespmem:s21], [sflag:$0x2], $0x90, s2, s24, $0xb8;
	[tilespmem:$0x1E960] =	vst v63  }
0x7e: {  	_ =	swait.ge [sflag:s22], $0x2D00  }
0x7f: {  	[sflag:s22] =	ssyncset.done $0x0  }
0x80: {  	[sflag:s22] =	ssyncadd.s32 $0xFFFFD300  }
0x81: {  	_ =	swait.ge [sflag:s26], $0x2D00  }
0x82: {  	[sflag:s26] =	ssyncset.done $0x0  }
0x83: {  	s5 =	sadd.s32 $0xA0, s31;
	[sflag:s26] =	ssyncadd.s32 $0xFFFFD300  }
0x84: {  	[tilespmem:s21], [sflag:$0x1] =	stream.indirect.gather [hbm4b:s4+s24], $0x90, s5, s24, $0xb8;
	[tilespmem:$0x1E960] =	vst v63  }
0x85: {  	s29 =	sadd.s32 $0x1400, s31  }
0x86: {  	[spmem:s1] =	stream.indirect.scatter.add.f32 [tilespmem:s28], [sflag:$0x2], $0x90, s29, s24, $0xb8;
	[tilespmem:$0x1E960] =	vst v63  }
0x87: {  	_ =	swait.ge [sflag:s22], $0x2D00  }
0x88: {  	[sflag:s22] =	ssyncset.done $0x0  }
0x89: {  	[sflag:s22] =	ssyncadd.s32 $0xFFFFD300  }
0x8a: {  	_ =	swait.ge [sflag:s26], $0x2D00  }
0x8b: {  	[sflag:s26] =	ssyncset.done $0x0  }
0x8c: {  	s2 =	simm.s32 $0x2710;
	[sflag:s26] =	ssyncadd.s32 $0xFFFFD300  }
0x8d: {  	[spmem:s1] =	stream.indirect.scatter.add.f32 [tilespmem:s21], [sflag:$0x2], $0x90, s2, s24, $0xb8;
	[tilespmem:$0x1E960] =	vst v63  }
0x8e: {  	_ =	swait.ge [sflag:s22], $0x2D00  }
0x8f: {  	[sflag:s22] =	ssyncset.done $0x0  }
0x90: {  	s5 =	simm.s32 $0x0;
	[sflag:s22] =	ssyncadd.s32 $0xFFFFD300  }
0x91: {  	[tilespmem:s5], [sflag:$0x2] =	stream.linear.gather [hbm4b:s7+s5], $0x9B0, $0x38;
	[tilespmem:$0x1E960] =	vst v63  }
0x92: {  	_ =	swait.ge [sflag:s22], $0x9B0  }
0x93: {  	[sflag:s22] =	ssyncset.done $0x0  }
0x94: {  	[sflag:s22] =	ssyncadd.s32 $0xFFFFF650  }
0x95: {  	[tilespmem:s23], [sflag:$0x2] =	stream.linear.gather [hbm4b:s8+s5], $0x9B0, $0x38;
	[tilespmem:$0x1E960] =	vst v63  }
0x96: {  	_ =	swait.ge [sflag:s22], $0x9B0  }
0x97: {  	[sflag:s22] =	ssyncset.done $0x0  }
0x98: {  	[sflag:s22] =	ssyncadd.s32 $0xFFFFF650  }
0x99: {  	[tilespmem:s21], [sflag:$0x1] =	stream.indirect.gather [hbm4b:s4+s24], $0x90, s5, s24, $0xb8;
	[tilespmem:$0x1E960] =	vst v63  }
0x9a: {  	_ =	swait.ge [sflag:s26], $0x2D00  }
0x9b: {  	[sflag:s26] =	ssyncset.done $0x0  }
0x9c: {  	s29 =	simm.s32 $0x50;
	[sflag:s26] =	ssyncadd.s32 $0xFFFFD300  }
0x9d: {  	[tilespmem:s28], [sflag:$0x1] =	stream.indirect.gather [hbm4b:s4+s24], $0x90, s29, s24, $0xb8;
	[tilespmem:$0x1E960] =	vst v63  }
0x9e: {  	s2 =	simm.s32 $0x13B0  }
0x9f: {  	[spmem:s1] =	stream.indirect.scatter.add.f32 [tilespmem:s21], [sflag:$0x2], $0x90, s2, s24, $0xb8;
	[tilespmem:$0x1E960] =	vst v63  }
0xa0: {  	_ =	swait.ge [sflag:s22], $0x2D00  }
0xa1: {  	[sflag:s22] =	ssyncset.done $0x0  }
0xa2: {  	[sflag:s22] =	ssyncadd.s32 $0xFFFFD300  }
0xa3: {  	_ =	swait.ge [sflag:s26], $0x2D00  }
0xa4: {  	[sflag:s26] =	ssyncset.done $0x0  }
0xa5: {  	s5 =	simm.s32 $0xA0;
	[sflag:s26] =	ssyncadd.s32 $0xFFFFD300  }
0xa6: {  	[tilespmem:s21], [sflag:$0x1] =	stream.indirect.gather [hbm4b:s4+s24], $0x90, s5, s24, $0xb8;
	[tilespmem:$0x1E960] =	vst v63  }
0xa7: {  	s29 =	simm.s32 $0x1400  }
0xa8: {  	[spmem:s1] =	stream.indirect.scatter.add.f32 [tilespmem:s28], [sflag:$0x2], $0x90, s29, s24, $0xb8;
	[tilespmem:$0x1E960] =	vst v63  }
0xa9: {  	_ =	swait.ge [sflag:s22], $0x2D00  }
0xaa: {  	[sflag:s22] =	ssyncset.done $0x0  }
0xab: {  	[sflag:s22] =	ssyncadd.s32 $0xFFFFD300  }
0xac: {  	_ =	swait.ge [sflag:s26], $0x2D00  }
0xad: {  	s31 =	simm.s32 $0xA0;
	s0 =	simm.s32 $0x500;
	[sflag:s26] =	ssyncset.done $0x0  }
.LBB2_6:
0xae: {  	s2 =	sadd.s32 $0x50, s31  }
0xaf: {  	[sflag:s26] =	ssyncadd.s32 $0xFFFFD300;
	s5 =	smov.u32 s0;
	s29 =	sadd.s32 $0x280, s0  }
0xb0: {  	[tilespmem:s28], [sflag:$0x1] =	stream.indirect.gather [hbm4b:s4+s24], $0x90, s2, s24, $0xb8;
	[tilespmem:$0x1E960] =	vst v63  }
0xb1: {  	p0 =	sne.s32 s0, $0x2300;
	s0 =	sadd.s32 $0x13B0, s31  }
0xb2: {  	[spmem:s1] =	stream.indirect.scatter.add.f32 [tilespmem:s21], [sflag:$0x2], $0x90, s0, s24, $0xb8;
	[tilespmem:$0x1E960] =	vst v63  }
0xb3: {  	_ =	swait.ge [sflag:s22], $0x2D00  }
0xb4: {  	[sflag:s22] =	ssyncset.done $0x0  }
0xb5: {  	[sflag:s22] =	ssyncadd.s32 $0xFFFFD300  }
0xb6: {  	_ =	swait.ge [sflag:s26], $0x2D00  }
0xb7: {  	[sflag:s26] =	ssyncset.done $0x0  }
0xb8: {  	s0 =	sadd.s32 $0xA0, s31;
	[sflag:s26] =	ssyncadd.s32 $0xFFFFD300  }
0xb9: {  	[tilespmem:s21], [sflag:$0x1] =	stream.indirect.gather [hbm4b:s4+s24], $0x90, s0, s24, $0xb8;
	[tilespmem:$0x1E960] =	vst v63  }
0xba: {  	s0 =	sadd.s32 $0x1400, s31  }
0xbb: {  	[spmem:s1] =	stream.indirect.scatter.add.f32 [tilespmem:s28], [sflag:$0x2], $0x90, s0, s24, $0xb8;
	[tilespmem:$0x1E960] =	vst v63  }
.Ltmp2:
0xbc: {  	_ =	swait.ge [sflag:s22], $0x2D00;
	(pc) =	sbr.rel @p0 .LBB2_6-.Ltmp2, $4  }
0xbd: {  	[sflag:s22] =	ssyncset.done $0x0  }
0xbe: {  	[sflag:s22] =	ssyncadd.s32 $0xFFFFD300  }
0xbf: {  	_ =	swait.ge [sflag:s26], $0x2D00  }
0xc0: {  	s31 =	sshra.s32 s5, $0x2;
	s0 =	smov.u32 s29;
	[sflag:s26] =	ssyncset.done $0x0  }
0xc1: {  	s0 =	sadd.s32 $0x50, s31;
	[sflag:s26] =	ssyncadd.s32 $0xFFFFD300  }
0xc2: {  	[tilespmem:s28], [sflag:$0x1] =	stream.indirect.gather [hbm4b:s4+s24], $0x90, s0, s24, $0xb8;
	[tilespmem:$0x1E960] =	vst v63  }
0xc3: {  	s5 =	sadd.s32 $0x13B0, s31  }
0xc4: {  	[spmem:s1] =	stream.indirect.scatter.add.f32 [tilespmem:s21], [sflag:$0x2], $0x90, s5, s24, $0xb8;
	[tilespmem:$0x1E960] =	vst v63  }
0xc5: {  	_ =	swait.ge [sflag:s22], $0x2D00  }
0xc6: {  	[sflag:s22] =	ssyncset.done $0x0  }
0xc7: {  	[sflag:s22] =	ssyncadd.s32 $0xFFFFD300  }
0xc8: {  	_ =	swait.ge [sflag:s26], $0x2D00  }
0xc9: {  	[sflag:s26] =	ssyncset.done $0x0  }
0xca: {  	s29 =	sadd.s32 $0xA0, s31;
	[sflag:s26] =	ssyncadd.s32 $0xFFFFD300  }
0xcb: {  	[tilespmem:s21], [sflag:$0x1] =	stream.indirect.gather [hbm4b:s4+s24], $0x90, s29, s24, $0xb8;
	[tilespmem:$0x1E960] =	vst v63  }
0xcc: {  	s2 =	sadd.s32 $0x1400, s31  }
0xcd: {  	[spmem:s1] =	stream.indirect.scatter.add.f32 [tilespmem:s28], [sflag:$0x2], $0x90, s2, s24, $0xb8;
	[tilespmem:$0x1E960] =	vst v63  }
0xce: {  	_ =	swait.ge [sflag:s22], $0x2D00  }
0xcf: {  	[sflag:s22] =	ssyncset.done $0x0  }
0xd0: {  	[sflag:s22] =	ssyncadd.s32 $0xFFFFD300  }
0xd1: {  	_ =	swait.ge [sflag:s26], $0x2D00  }
0xd2: {  	[sflag:s26] =	ssyncset.done $0x0  }
0xd3: {  	[sflag:s26] =	ssyncadd.s32 $0xFFFFD300  }
0xd4: {  	[spmem:s1] =	stream.indirect.scatter.add.f32 [tilespmem:s21], [sflag:$0x2], $0x90, s30, s24, $0xb8;
	[tilespmem:$0x1E960] =	vst v63  }
0xd5: {  	_ =	swait.ge [sflag:s22], $0x2D00  }
0xd6: {  	[sflag:s22] =	ssyncset.done $0x0  }
0xd7: {  	s5 =	simm.s32 $0x0;
	[sflag:s22] =	ssyncadd.s32 $0xFFFFD300  }
0xd8: {  	[tilespmem:s5], [sflag:$0x2] =	stream.linear.gather [hbm4b:s9+s5], $0x9B0, $0x38;
	[tilespmem:$0x1E960] =	vst v63  }
0xd9: {  	_ =	swait.ge [sflag:s22], $0x9B0  }
0xda: {  	[sflag:s22] =	ssyncset.done $0x0  }
0xdb: {  	[sflag:s22] =	ssyncadd.s32 $0xFFFFF650  }
0xdc: {  	[tilespmem:s23], [sflag:$0x2] =	stream.linear.gather [hbm4b:s10+s5], $0x9B0, $0x38;
	[tilespmem:$0x1E960] =	vst v63  }
0xdd: {  	_ =	swait.ge [sflag:s22], $0x9B0  }
0xde: {  	[sflag:s22] =	ssyncset.done $0x0  }
0xdf: {  	[sflag:s22] =	ssyncadd.s32 $0xFFFFF650  }
0xe0: {  	[tilespmem:s21], [sflag:$0x1] =	stream.indirect.gather [hbm4b:s4+s24], $0x90, s5, s24, $0xb8;
	[tilespmem:$0x1E960] =	vst v63  }
0xe1: {  	_ =	swait.ge [sflag:s26], $0x2D00  }
0xe2: {  	[sflag:s26] =	ssyncset.done $0x0  }
0xe3: {  	s29 =	simm.s32 $0x50;
	[sflag:s26] =	ssyncadd.s32 $0xFFFFD300  }
0xe4: {  	[tilespmem:s28], [sflag:$0x1] =	stream.indirect.gather [hbm4b:s4+s24], $0x90, s29, s24, $0xb8;
	[tilespmem:$0x1E960] =	vst v63  }
0xe5: {  	s2 =	simm.s32 $0x13B0  }
0xe6: {  	[spmem:s1] =	stream.indirect.scatter.add.f32 [tilespmem:s21], [sflag:$0x2], $0x90, s2, s24, $0xb8;
	[tilespmem:$0x1E960] =	vst v63  }
0xe7: {  	_ =	swait.ge [sflag:s22], $0x2D00  }
0xe8: {  	[sflag:s22] =	ssyncset.done $0x0  }
0xe9: {  	[sflag:s22] =	ssyncadd.s32 $0xFFFFD300  }
0xea: {  	_ =	swait.ge [sflag:s26], $0x2D00  }
0xeb: {  	[sflag:s26] =	ssyncset.done $0x0  }
0xec: {  	s5 =	simm.s32 $0xA0;
	[sflag:s26] =	ssyncadd.s32 $0xFFFFD300  }
0xed: {  	[tilespmem:s21], [sflag:$0x1] =	stream.indirect.gather [hbm4b:s4+s24], $0x90, s5, s24, $0xb8;
	[tilespmem:$0x1E960] =	vst v63  }
0xee: {  	s29 =	simm.s32 $0x1400  }
0xef: {  	[spmem:s1] =	stream.indirect.scatter.add.f32 [tilespmem:s28], [sflag:$0x2], $0x90, s29, s24, $0xb8;
	[tilespmem:$0x1E960] =	vst v63  }
0xf0: {  	_ =	swait.ge [sflag:s22], $0x2D00  }
0xf1: {  	[sflag:s22] =	ssyncset.done $0x0  }
0xf2: {  	[sflag:s22] =	ssyncadd.s32 $0xFFFFD300  }
0xf3: {  	_ =	swait.ge [sflag:s26], $0x2D00  }
0xf4: {  	s31 =	simm.s32 $0xA0;
	s0 =	simm.s32 $0x500;
	[sflag:s26] =	ssyncset.done $0x0  }
.LBB2_8:
0xf5: {  	s2 =	sadd.s32 $0x50, s31  }
0xf6: {  	[sflag:s26] =	ssyncadd.s32 $0xFFFFD300;
	s5 =	smov.u32 s0;
	s29 =	sadd.s32 $0x280, s0  }
0xf7: {  	[tilespmem:s28], [sflag:$0x1] =	stream.indirect.gather [hbm4b:s4+s24], $0x90, s2, s24, $0xb8;
	[tilespmem:$0x1E960] =	vst v63  }
0xf8: {  	p0 =	sne.s32 s0, $0x2300;
	s0 =	sadd.s32 $0x13B0, s31  }
0xf9: {  	[spmem:s1] =	stream.indirect.scatter.add.f32 [tilespmem:s21], [sflag:$0x2], $0x90, s0, s24, $0xb8;
	[tilespmem:$0x1E960] =	vst v63  }
0xfa: {  	_ =	swait.ge [sflag:s22], $0x2D00  }
0xfb: {  	[sflag:s22] =	ssyncset.done $0x0  }
0xfc: {  	[sflag:s22] =	ssyncadd.s32 $0xFFFFD300  }
0xfd: {  	_ =	swait.ge [sflag:s26], $0x2D00  }
0xfe: {  	[sflag:s26] =	ssyncset.done $0x0  }
0xff: {  	s0 =	sadd.s32 $0xA0, s31;
	[sflag:s26] =	ssyncadd.s32 $0xFFFFD300  }
0x100: {  	[tilespmem:s21], [sflag:$0x1] =	stream.indirect.gather [hbm4b:s4+s24], $0x90, s0, s24, $0xb8;
	[tilespmem:$0x1E960] =	vst v63  }
0x101: {  	s0 =	sadd.s32 $0x1400, s31  }
0x102: {  	[spmem:s1] =	stream.indirect.scatter.add.f32 [tilespmem:s28], [sflag:$0x2], $0x90, s0, s24, $0xb8;
	[tilespmem:$0x1E960] =	vst v63  }
.Ltmp3:
0x103: {  	_ =	swait.ge [sflag:s22], $0x2D00;
	(pc) =	sbr.rel @p0 .LBB2_8-.Ltmp3, $4  }
0x104: {  	[sflag:s22] =	ssyncset.done $0x0  }
0x105: {  	[sflag:s22] =	ssyncadd.s32 $0xFFFFD300  }
0x106: {  	_ =	swait.ge [sflag:s26], $0x2D00  }
0x107: {  	s31 =	sshra.s32 s5, $0x2;
	s0 =	smov.u32 s29;
	[sflag:s26] =	ssyncset.done $0x0  }
0x108: {  	s0 =	sadd.s32 $0x50, s31;
	[sflag:s26] =	ssyncadd.s32 $0xFFFFD300  }
0x109: {  	[tilespmem:s28], [sflag:$0x1] =	stream.indirect.gather [hbm4b:s4+s24], $0x90, s0, s24, $0xb8;
	[tilespmem:$0x1E960] =	vst v63  }
0x10a: {  	s2 =	sadd.s32 $0x13B0, s31  }
0x10b: {  	[spmem:s1] =	stream.indirect.scatter.add.f32 [tilespmem:s21], [sflag:$0x2], $0x90, s2, s24, $0xb8;
	[tilespmem:$0x1E960] =	vst v63  }
0x10c: {  	_ =	swait.ge [sflag:s22], $0x2D00  }
0x10d: {  	[sflag:s22] =	ssyncset.done $0x0  }
0x10e: {  	[sflag:s22] =	ssyncadd.s32 $0xFFFFD300  }
0x10f: {  	_ =	swait.ge [sflag:s26], $0x2D00  }
0x110: {  	[sflag:s26] =	ssyncset.done $0x0  }
0x111: {  	s5 =	sadd.s32 $0xA0, s31;
	[sflag:s26] =	ssyncadd.s32 $0xFFFFD300  }
0x112: {  	[tilespmem:s21], [sflag:$0x1] =	stream.indirect.gather [hbm4b:s4+s24], $0x90, s5, s24, $0xb8;
	[tilespmem:$0x1E960] =	vst v63  }
0x113: {  	s29 =	sadd.s32 $0x1400, s31  }
0x114: {  	[spmem:s1] =	stream.indirect.scatter.add.f32 [tilespmem:s28], [sflag:$0x2], $0x90, s29, s24, $0xb8;
	[tilespmem:$0x1E960] =	vst v63  }
0x115: {  	_ =	swait.ge [sflag:s22], $0x2D00  }
0x116: {  	[sflag:s22] =	ssyncset.done $0x0  }
0x117: {  	[sflag:s22] =	ssyncadd.s32 $0xFFFFD300  }
0x118: {  	_ =	swait.ge [sflag:s26], $0x2D00  }
0x119: {  	[sflag:s26] =	ssyncset.done $0x0  }
0x11a: {  	[sflag:s26] =	ssyncadd.s32 $0xFFFFD300  }
0x11b: {  	[spmem:s1] =	stream.indirect.scatter.add.f32 [tilespmem:s21], [sflag:$0x2], $0x90, s30, s24, $0xb8;
	[tilespmem:$0x1E960] =	vst v63  }
0x11c: {  	_ =	swait.ge [sflag:s22], $0x2D00  }
0x11d: {  	s31 =	stileid.u32;
	s3 =	sadd.s32 $0x1, s3;
	[sflag:s22] =	ssyncset.done $0x0  }
0x11e: {  	s0 =	sshll.u32 s31, $0x6;
	p0 =	sne.s32 s3, s13;
	[sflag:s22] =	ssyncadd.s32 $0xFFFFD300  }
.Ltmp4:
0x11f: {  	s0 =	sor.u32 $0x1C02, s0;
	[bflag:$0x0] =	sbarrier.arrive $0xFFFF;
	(pc) =	sbr.rel @p0 .LBB2_1-.Ltmp4, $4  }
0x120: {  	[hbm:s11], [sflag:s0] =	dma.local [spmem:s25], $0x2D00  }
0x121: {  	_ =	swait.ge [sflag:s22], $0x2D00  }
0x122: {  	[sflag:s22] =	ssyncset.done $0x0  }
0x123: {  	[sflag:s22] =	ssyncadd.s32 $0xFFFFD300  }
0x124: {  	_ =	sfence.sel $0x180000  }
0x125: {  	[bflag:$0x0] =	sbarrier.arrive $0xFFFF  }
0x126: {  	_ =	strace $0x90000047  }
0x127: {  	s0 =	stileid.u32;
	[bflag:$0x2] =	sbarrier.arrive $0xFFFF  }
0x128: {  	p0 =	sne.s32 s0, $0x0;
	s0 =	rddreg [dreg:$0x3]  }
0x129: {  	s0 =	sadd.s32 @!p0 $0x100000, s0  }
0x12a: {  	[sflag:s0] =	ssyncadd.tile.s32 @!p0 $0x1;
	_ =	shalt  }
.Lfunc_end2:
_tile_overlayer_lowered:
.L_overlay_start_2:
0x12b: {  	(tag) =	ssettag $0x2  }
0x12c: {  	s0 =	rddreg [dreg:$0x0];
	s2 =	stileid.u32  }
0x12d: {  	s1 =	rddreg [dreg:$0x1];
	p0 =	sne.s32 s2, $0x0  }
0x12e: {  	s3 =	rddreg [dreg:$0x2];
	[bflag:$0x3] =	sbarrier.arrive $0xFFFF;
	s2 =	simm.s32 @!p0 $0x1C02  }
0x12f: {  	[timem:s3], [sflag:s2] =	dma.local @!p0 [hbm:s0], s1  }
0x130: {  	s0 =	simm.s32 @!p0 $0x2  }
0x131: {  	_ =	swait.ge @!p0 [sflag:s0], s1  }
0x132: {  	s1 =	ssub.s32 @!p0 $0x0, s1;
	[sflag:s0] =	ssyncset.done @!p0 $0x0  }
0x133: {  	[sflag:s0] =	ssyncadd.s32 @!p0 s1  }
0x134: {  	[bflag:$0x3] =	sbarrier.arrive $0xFFFF  }
0x135: {  	_ =	shalt  }

</sc_bundles>
